<compile_context>
chip_gen: v7x
topology: tpu7x:2x2x1
jax: 0.10.2.dev20260603
libtpu: 0.0.44.dev20260713+nightly
codegen_flags: <defaults>
</compile_context>

<pallas_src>
import functools

import jax
import jax.numpy as jnp
from jax import lax
from jax.experimental import pallas as pl
from jax.experimental.pallas import tpu as pltpu
from jax.experimental.pallas import tpu_sc as plsc

NO_CAT = 1000000
EMBED_DIM = 32
BATCH = 16384

_L = 16
_TAIL_COL0 = (NO_CAT // 128 - 2) * 128
_TAIL_W = NO_CAT - _TAIL_COL0

_info = plsc.get_sparse_core_info()
_NC = _info.num_cores
_NS = _info.num_subcores
_NW = _NC * _NS

_N_SC = BATCH
_B_W = _N_SC // _NW
_NCHUNK = _B_W // _L

_mesh = plsc.VectorSubcoreMesh(core_axis_name="c", subcore_axis_name="s")


@functools.partial(
    pl.kernel,
    mesh=_mesh,
    out_type=jax.ShapeDtypeStruct((EMBED_DIM, _N_SC), jnp.float32),
    compiler_params=pltpu.CompilerParams(needs_layout_passes=False),
    scratch_types=[
        pltpu.VMEM((_B_W,), jnp.int32),
        pltpu.VMEM((_L, EMBED_DIM, 128), jnp.float32),
        pltpu.VMEM((EMBED_DIM, _B_W), jnp.float32),
        pltpu.VMEM((EMBED_DIM, _TAIL_W), jnp.float32),
        pltpu.SemaphoreType.DMA,
        pltpu.SemaphoreType.DMA,
    ],
)
def _embed_gather_sc(x_hbm, tabt_hbm, outt_hbm, idx_v, tiles_v, out_v, tail_v,
                     sem, tail_sem):
    wid = lax.axis_index("s") * _NC + lax.axis_index("c")
    b0 = wid * _B_W

    tail_cp = pltpu.async_copy(
        tabt_hbm.at[:, pl.ds(_TAIL_COL0, _TAIL_W)], tail_v, tail_sem)
    pltpu.sync_copy(x_hbm.at[pl.ds(b0, _B_W)], idx_v)
    tail_cp.wait()

    iota = lax.iota(jnp.int32, _L)

    def chunk_body(k, _):
        ivec = idx_v[pl.ds(k * _L, _L)]
        tmask = ivec >= _TAIL_COL0
        isafe = jnp.where(tmask, 0, ivec)
        copies = []
        for l in range(_L):
            g = lax.reduce_max(jnp.where(iota == l, isafe, 0), (0,))
            col = pl.multiple_of(lax.shift_left(
                lax.shift_right_logical(g, 7), 7), 128)
            copies.append(pltpu.async_copy(
                tabt_hbm.at[:, pl.ds(col, 128)], tiles_v.at[l], sem))
        for cp in copies:
            cp.wait()
        lane = isafe & 127
        tcol = jnp.maximum(ivec - _TAIL_COL0, 0)
        for d in range(EMBED_DIM):
            drow = jnp.full((_L,), d, jnp.int32)
            vals = plsc.load_gather(tiles_v, [iota, drow, lane])
            tvals = plsc.load_gather(tail_v, [drow, tcol], mask=tmask)
            out_v[d, pl.ds(k * _L, _L)] = jnp.where(tmask, tvals, vals)
        return 0

    lax.fori_loop(0, _NCHUNK, chunk_body, 0)

    pltpu.sync_copy(out_v, outt_hbm.at[:, pl.ds(b0, _B_W)])


def kernel(x, table):
    outt = _embed_gather_sc(x.astype(jnp.int32), table.T)
    return outt.T

# --- scband reference (transcript-rebuilt; emitter-appended) ---
"""Pipeline reference for scband-categorical-embedding-18167711662365 (READ-ONLY COPY).

The authoritative reference and input builder live on the scoring server;
editing this copy changes nothing except your own understanding.
"""

import jax, jax.numpy as jnp
import numpy as np

NO_CAT = 1000000
EMBED_DIM = 32
BATCH = 16384

def setup_inputs(seed: int = 0) -> dict:
    key = jax.random.key(seed)
    k_idx, k_tab = jax.random.split(key)
    x = jax.random.randint(k_idx, (BATCH,), 0, NO_CAT, dtype=jnp.int64 if jax.config.jax_enable_x64 else jnp.int32)
    table = jax.random.normal(k_tab, (NO_CAT, EMBED_DIM), dtype=jnp.float32)
    return {"x": x, "table": table}

def reference(x, table):
    # nn.Embedding forward: row gather from the embedding table
    return jnp.take(table, x, axis=0)

if __name__ == "__main__":
    import jax
    _d = setup_inputs()
    print(jax.jit(kernel)(*tuple(_d.values())))

</pallas_src>

<mosaic_0001>
#map = affine_map<(d0, d1) -> (0)>
#map1 = affine_map<(d0, d1) -> (0, 0)>
module attributes {stable_mosaic.version = 14 : i64} {
  func.func @_embed_gather_sc(%arg0: i32, %arg1: i32, %arg2: memref<16384xi32, #tpu.memory_space<hbm>>, %arg3: memref<32x1000000xf32, #tpu.memory_space<hbm>>, %arg4: memref<32x16384xf32, #tpu.memory_space<hbm>>, %arg5: memref<512xi32, #tpu.memory_space<vmem>>, %arg6: memref<16x32x128xf32, #tpu.memory_space<vmem>>, %arg7: memref<32x512xf32, #tpu.memory_space<vmem>>, %arg8: memref<32x320xf32, #tpu.memory_space<vmem>>, %arg9: memref<!tpu.dma_semaphore, #tpu.memory_space<semaphore_mem>>, %arg10: memref<!tpu.dma_semaphore, #tpu.memory_space<semaphore_mem>>) attributes {dimension_semantics = [#tpu.dimension_semantics<core_parallel>, #tpu.dimension_semantics<subcore_parallel>], iteration_bounds = array<i64: 2, 16>, scalar_prefetch = 0 : i64, scratch_operands = 6 : i64, tpu.core_type = #tpu.core_type<sc_vector_subcore>, window_params = [{transform_indices = #map}, {transform_indices = #map1}, {transform_indices = #map1}]} {
    %mul3A = arith.constant 2 : i32
    %mul3A_0 = arith.muli %arg1, %mul3A : i32
    %add3A = arith.addi %mul3A_0, %arg0 : i32
    %mul3A_1 = arith.constant 512 : i32
    %mul3A_2 = arith.muli %add3A, %mul3A_1 : i32
    %dma_start3A = arith.constant 0 : i32
    %dma_start3A_3 = arith.constant 999680 : i32
    %dma_start3A_4 = tpu.memref_slice %arg3[%dma_start3A, %dma_start3A_3] : memref<32x1000000xf32, #tpu.memory_space<hbm>> -> memref<32x320xf32, #tpu.memory_space<hbm>>
    %dma_start3A_5 = arith.constant 0 : i32
    %dma_start3A_6 = arith.constant 999680 : i32
    %dma_start3A_7 = tpu.memref_slice %arg3[%dma_start3A_5, %dma_start3A_6] : memref<32x1000000xf32, #tpu.memory_space<hbm>> -> memref<32x320xf32, #tpu.memory_space<hbm>>
    tpu.enqueue_dma source(%dma_start3A_7 : memref<32x320xf32, #tpu.memory_space<hbm>>) target(%arg8 : memref<32x320xf32, #tpu.memory_space<vmem>>) target_semaphore(%arg10 : memref<!tpu.dma_semaphore, #tpu.memory_space<semaphore_mem>>)
    "tpu.region"() ({
      %run_scoped3A = tpu.sem_alloc : memref<!tpu.dma_semaphore, #tpu.memory_space<semaphore_mem>>
      %dma_start3A_19 = tpu.memref_slice %arg2[%mul3A_2] : memref<16384xi32, #tpu.memory_space<hbm>> -> memref<512xi32, #tpu.memory_space<hbm>>
      %dma_start3A_20 = tpu.memref_slice %arg2[%mul3A_2] : memref<16384xi32, #tpu.memory_space<hbm>> -> memref<512xi32, #tpu.memory_space<hbm>>
      tpu.enqueue_dma source(%dma_start3A_20 : memref<512xi32, #tpu.memory_space<hbm>>) target(%arg5 : memref<512xi32, #tpu.memory_space<vmem>>) target_semaphore(%run_scoped3A : memref<!tpu.dma_semaphore, #tpu.memory_space<semaphore_mem>>)
      %dma_wait3A_21 = tpu.memref_slice %arg2[%mul3A_2] : memref<16384xi32, #tpu.memory_space<hbm>> -> memref<512xi32, #tpu.memory_space<hbm>>
      %dma_wait3A_22 = tpu.memref_slice %arg2[%mul3A_2] : memref<16384xi32, #tpu.memory_space<hbm>> -> memref<512xi32, #tpu.memory_space<hbm>>
      tpu.wait_dma2 semaphore(%run_scoped3A : memref<!tpu.dma_semaphore, #tpu.memory_space<semaphore_mem>>) src(%dma_wait3A_22 : memref<512xi32, #tpu.memory_space<hbm>>) dst(%arg5 : memref<512xi32, #tpu.memory_space<vmem>>)
      tpu.yield
    }) : () -> ()
    %dma_wait3A = arith.constant 0 : i32
    %dma_wait3A_8 = arith.constant 999680 : i32
    %dma_wait3A_9 = tpu.memref_slice %arg3[%dma_wait3A, %dma_wait3A_8] : memref<32x1000000xf32, #tpu.memory_space<hbm>> -> memref<32x320xf32, #tpu.memory_space<hbm>>
    %dma_wait3A_10 = arith.constant 0 : i32
    %dma_wait3A_11 = arith.constant 999680 : i32
    %dma_wait3A_12 = tpu.memref_slice %arg3[%dma_wait3A_10, %dma_wait3A_11] : memref<32x1000000xf32, #tpu.memory_space<hbm>> -> memref<32x320xf32, #tpu.memory_space<hbm>>
    tpu.wait_dma2 semaphore(%arg10 : memref<!tpu.dma_semaphore, #tpu.memory_space<semaphore_mem>>) src(%dma_wait3A_12 : memref<32x320xf32, #tpu.memory_space<hbm>>) dst(%arg8 : memref<32x320xf32, #tpu.memory_space<vmem>>)
    %iota3A = tpu.iota {dimensions = array<i32: 0>} : vector<16xi32>
    %scan3A = arith.constant 0 : i32
    %scan3A_13 = arith.constant 0 : i32
    %scan3A_14 = arith.constant 32 : i32
    %scan3A_15 = arith.addi %scan3A_13, %scan3A_14 : i32
    %scan3A_16 = arith.constant 1 : i32
    %scan3A_17 = scf.for %scan3A_19 = %scan3A_13 to %scan3A_15 step %scan3A_16 iter_args(%scan3A_20 = %scan3A) -> (i32)  : i32 {
      %mul3A_21 = arith.constant 16 : i32
      %mul3A_22 = arith.muli %scan3A_19, %mul3A_21 : i32
      %get3A = arith.index_cast %mul3A_22 : i32 to index
      %get3A_23 = tpu.vector_load %arg5[%get3A] {strides = array<i32>} : memref<512xi32, #tpu.memory_space<vmem>>, vector<16xi32>,
      %ge3A = arith.constant 999680 : i32
      %ge3A_24 = vector.broadcast %ge3A : i32 to vector<16xi32>
      %ge3A_25 = arith.cmpi sge, %get3A_23, %ge3A_24 : vector<16xi32>
      %jit3A = arith.constant 0 : i32
      %broadcast_in_dim3A = vector.broadcast %jit3A : i32 to vector<16xi32>
      %select_n3A = arith.select %ge3A_25, %broadcast_in_dim3A, %get3A_23 : vector<16xi1>, vector<16xi32>
      %eq3A = arith.constant 0 : i32
      %eq3A_26 = vector.broadcast %eq3A : i32 to vector<16xi32>
      %eq3A_27 = arith.cmpi eq, %iota3A, %eq3A_26 : vector<16xi32>
      %jit3A_28 = arith.constant 0 : i32
      %broadcast_in_dim3A_29 = vector.broadcast %jit3A_28 : i32 to vector<16xi32>
      %select_n3A_30 = arith.select %eq3A_27, %select_n3A, %broadcast_in_dim3A_29 : vector<16xi1>, vector<16xi32>
      %reduce_max3A = arith.constant true
      %reduce_max3A_31 = vector.broadcast %reduce_max3A : i1 to vector<16xi1>
      %reduce_max3A_32 = arith.constant -2147483648 : i32
      %reduce_max3A_33 = vector.broadcast %reduce_max3A_32 : i32 to vector<16xi32>
      %reduce_max3A_34 = arith.xori %select_n3A_30, %reduce_max3A_33 : vector<16xi32>
      %reduce_max3A_35 = tpu.scan <max>, %reduce_max3A_34 masked %reduce_max3A_31 : vector<16xi32>, vector<16xi1> -> vector<16xi32>
      %reduce_max3A_36 = arith.xori %reduce_max3A_35, %reduce_max3A_33 : vector<16xi32>
      %reduce_max3A_37 = vector.extract %reduce_max3A_36[15] : i32 from vector<16xi32>
      %shift_right_logical3A = arith.constant 7 : i32
      %shift_right_logical3A_38 = arith.shrui %reduce_max3A_37, %shift_right_logical3A : i32
      %shift_left3A = arith.constant 7 : i32
      %shift_left3A_39 = arith.shli %shift_right_logical3A_38, %shift_left3A : i32
      %multiple_of3A = tpu.assume_multiple %shift_left3A_39, 128 : i32
      %dma_start3A_40 = arith.constant 0 : i32
      %dma_start3A_41 = arith.constant 0 : i32
      %dma_start3A_42 = arith.constant 0 : i32
      %dma_start3A_43 = tpu.memref_slice %arg6[%dma_start3A_40, %dma_start3A_41, %dma_start3A_42] : memref<16x32x128xf32, #tpu.memory_space<vmem>> -> memref<1x32x128xf32, #tpu.memory_space<vmem>>
      %dma_start3A_44 = tpu.memref_squeeze %dma_start3A_43 : memref<1x32x128xf32, #tpu.memory_space<vmem>> -> memref<32x128xf32, #tpu.memory_space<vmem>>
      %dma_start3A_45 = arith.constant 0 : i32
      %dma_start3A_46 = tpu.memref_slice %arg3[%dma_start3A_45, %multiple_of3A] : memref<32x1000000xf32, #tpu.memory_space<hbm>> -> memref<32x128xf32, #tpu.memory_space<hbm>>
      %dma_start3A_47 = arith.constant 0 : i32
      %dma_start3A_48 = arith.constant 0 : i32
      %dma_start3A_49 = tpu.memref_slice %arg6[%dma_start3A_40, %dma_start3A_47, %dma_start3A_48] : memref<16x32x128xf32, #tpu.memory_space<vmem>> -> memref<1x32x128xf32, #tpu.memory_space<vmem>>
      %dma_start3A_50 = tpu.memref_squeeze %dma_start3A_49 : memref<1x32x128xf32, #tpu.memory_space<vmem>> -> memref<32x128xf32, #tpu.memory_space<vmem>>
      %dma_start3A_51 = arith.constant 0 : i32
      %dma_start3A_52 = tpu.memref_slice %arg3[%dma_start3A_51, %multiple_of3A] : memref<32x1000000xf32, #tpu.memory_space<hbm>> -> memref<32x128xf32, #tpu.memory_space<hbm>>
      tpu.enqueue_dma source(%dma_start3A_52 : memref<32x128xf32, #tpu.memory_space<hbm>>) target(%dma_start3A_50 : memref<32x128xf32, #tpu.memory_space<vmem>>) target_semaphore(%arg9 : memref<!tpu.dma_semaphore, #tpu.memory_space<semaphore_mem>>)
      %eq3A_53 = arith.constant 1 : i32
      %eq3A_54 = vector.broadcast %eq3A_53 : i32 to vector<16xi32>
      %eq3A_55 = arith.cmpi eq, %iota3A, %eq3A_54 : vector<16xi32>
      %jit3A_56 = arith.constant 0 : i32
      %broadcast_in_dim3A_57 = vector.broadcast %jit3A_56 : i32 to vector<16xi32>
      %select_n3A_58 = arith.select %eq3A_55, %select_n3A, %broadcast_in_dim3A_57 : vector<16xi1>, vector<16xi32>
      %reduce_max3A_59 = arith.constant true
      %reduce_max3A_60 = vector.broadcast %reduce_max3A_59 : i1 to vector<16xi1>
      %reduce_max3A_61 = arith.constant -2147483648 : i32
      %reduce_max3A_62 = vector.broadcast %reduce_max3A_61 : i32 to vector<16xi32>
      %reduce_max3A_63 = arith.xori %select_n3A_58, %reduce_max3A_62 : vector<16xi32>
      %reduce_max3A_64 = tpu.scan <max>, %reduce_max3A_63 masked %reduce_max3A_60 : vector<16xi32>, vector<16xi1> -> vector<16xi32>
      %reduce_max3A_65 = arith.xori %reduce_max3A_64, %reduce_max3A_62 : vector<16xi32>
      %reduce_max3A_66 = vector.extract %reduce_max3A_65[15] : i32 from vector<16xi32>
      %shift_right_logical3A_67 = arith.constant 7 : i32
      %shift_right_logical3A_68 = arith.shrui %reduce_max3A_66, %shift_right_logical3A_67 : i32
      %shift_left3A_69 = arith.constant 7 : i32
      %shift_left3A_70 = arith.shli %shift_right_logical3A_68, %shift_left3A_69 : i32
      %multiple_of3A_71 = tpu.assume_multiple %shift_left3A_70, 128 : i32
      %dma_start3A_72 = arith.constant 1 : i32
      %dma_start3A_73 = arith.constant 0 : i32
      %dma_start3A_74 = arith.constant 0 : i32
      %dma_start3A_75 = tpu.memref_slice %arg6[%dma_start3A_72, %dma_start3A_73, %dma_start3A_74] : memref<16x32x128xf32, #tpu.memory_space<vmem>> -> memref<1x32x128xf32, #tpu.memory_space<vmem>>
      %dma_start3A_76 = tpu.memref_squeeze %dma_start3A_75 : memref<1x32x128xf32, #tpu.memory_space<vmem>> -> memref<32x128xf32, #tpu.memory_space<vmem>>
      %dma_start3A_77 = arith.constant 0 : i32
      %dma_start3A_78 = tpu.memref_slice %arg3[%dma_start3A_77, %multiple_of3A_71] : memref<32x1000000xf32, #tpu.memory_space<hbm>> -> memref<32x128xf32, #tpu.memory_space<hbm>>
      %dma_start3A_79 = arith.constant 0 : i32
      %dma_start3A_80 = arith.constant 0 : i32
      %dma_start3A_81 = tpu.memref_slice %arg6[%dma_start3A_72, %dma_start3A_79, %dma_start3A_80] : memref<16x32x128xf32, #tpu.memory_space<vmem>> -> memref<1x32x128xf32, #tpu.memory_space<vmem>>
      %dma_start3A_82 = tpu.memref_squeeze %dma_start3A_81 : memref<1x32x128xf32, #tpu.memory_space<vmem>> -> memref<32x128xf32, #tpu.memory_space<vmem>>
      %dma_start3A_83 = arith.constant 0 : i32
      %dma_start3A_84 = tpu.memref_slice %arg3[%dma_start3A_83, %multiple_of3A_71] : memref<32x1000000xf32, #tpu.memory_space<hbm>> -> memref<32x128xf32, #tpu.memory_space<hbm>>
      tpu.enqueue_dma source(%dma_start3A_84 : memref<32x128xf32, #tpu.memory_space<hbm>>) target(%dma_start3A_82 : memref<32x128xf32, #tpu.memory_space<vmem>>) target_semaphore(%arg9 : memref<!tpu.dma_semaphore, #tpu.memory_space<semaphore_mem>>)
      %eq3A_85 = arith.constant 2 : i32
      %eq3A_86 = vector.broadcast %eq3A_85 : i32 to vector<16xi32>
      %eq3A_87 = arith.cmpi eq, %iota3A, %eq3A_86 : vector<16xi32>
      %jit3A_88 = arith.constant 0 : i32
      %broadcast_in_dim3A_89 = vector.broadcast %jit3A_88 : i32 to vector<16xi32>
      %select_n3A_90 = arith.select %eq3A_87, %select_n3A, %broadcast_in_dim3A_89 : vector<16xi1>, vector<16xi32>
      %reduce_max3A_91 = arith.constant true
      %reduce_max3A_92 = vector.broadcast %reduce_max3A_91 : i1 to vector<16xi1>
      %reduce_max3A_93 = arith.constant -2147483648 : i32
      %reduce_max3A_94 = vector.broadcast %reduce_max3A_93 : i32 to vector<16xi32>
      %reduce_max3A_95 = arith.xori %select_n3A_90, %reduce_max3A_94 : vector<16xi32>
      %reduce_max3A_96 = tpu.scan <max>, %reduce_max3A_95 masked %reduce_max3A_92 : vector<16xi32>, vector<16xi1> -> vector<16xi32>
      %reduce_max3A_97 = arith.xori %reduce_max3A_96, %reduce_max3A_94 : vector<16xi32>
      %reduce_max3A_98 = vector.extract %reduce_max3A_97[15] : i32 from vector<16xi32>
      %shift_right_logical3A_99 = arith.constant 7 : i32
      %shift_right_logical3A_100 = arith.shrui %reduce_max3A_98, %shift_right_logical3A_99 : i32
      %shift_left3A_101 = arith.constant 7 : i32
      %shift_left3A_102 = arith.shli %shift_right_logical3A_100, %shift_left3A_101 : i32
      %multiple_of3A_103 = tpu.assume_multiple %shift_left3A_102, 128 : i32
      %dma_start3A_104 = arith.constant 2 : i32
      %dma_start3A_105 = arith.constant 0 : i32
      %dma_start3A_106 = arith.constant 0 : i32
      %dma_start3A_107 = tpu.memref_slice %arg6[%dma_start3A_104, %dma_start3A_105, %dma_start3A_106] : memref<16x32x128xf32, #tpu.memory_space<vmem>> -> memref<1x32x128xf32, #tpu.memory_space<vmem>>
      %dma_start3A_108 = tpu.memref_squeeze %dma_start3A_107 : memref<1x32x128xf32, #tpu.memory_space<vmem>> -> memref<32x128xf32, #tpu.memory_space<vmem>>
      %dma_start3A_109 = arith.constant 0 : i32
      %dma_start3A_110 = tpu.memref_slice %arg3[%dma_start3A_109, %multiple_of3A_103] : memref<32x1000000xf32, #tpu.memory_space<hbm>> -> memref<32x128xf32, #tpu.memory_space<hbm>>
      %dma_start3A_111 = arith.constant 0 : i32
      %dma_start3A_112 = arith.constant 0 : i32
      %dma_start3A_113 = tpu.memref_slice %arg6[%dma_start3A_104, %dma_start3A_111, %dma_start3A_112] : memref<16x32x128xf32, #tpu.memory_space<vmem>> -> memref<1x32x128xf32, #tpu.memory_space<vmem>>
      %dma_start3A_114 = tpu.memref_squeeze %dma_start3A_113 : memref<1x32x128xf32, #tpu.memory_space<vmem>> -> memref<32x128xf32, #tpu.memory_space<vmem>>
      %dma_start3A_115 = arith.constant 0 : i32
      %dma_start3A_116 = tpu.memref_slice %arg3[%dma_start3A_115, %multiple_of3A_103] : memref<32x1000000xf32, #tpu.memory_space<hbm>> -> memref<32x128xf32, #tpu.memory_space<hbm>>
      tpu.enqueue_dma source(%dma_start3A_116 : memref<32x128xf32, #tpu.memory_space<hbm>>) target(%dma_start3A_114 : memref<32x128xf32, #tpu.memory_space<vmem>>) target_semaphore(%arg9 : memref<!tpu.dma_semaphore, #tpu.memory_space<semaphore_mem>>)
      %eq3A_117 = arith.constant 3 : i32
      %eq3A_118 = vector.broadcast %eq3A_117 : i32 to vector<16xi32>
      %eq3A_119 = arith.cmpi eq, %iota3A, %eq3A_118 : vector<16xi32>
      %jit3A_120 = arith.constant 0 : i32
      %broadcast_in_dim3A_121 = vector.broadcast %jit3A_120 : i32 to vector<16xi32>
      %select_n3A_122 = arith.select %eq3A_119, %select_n3A, %broadcast_in_dim3A_121 : vector<16xi1>, vector<16xi32>
      %reduce_max3A_123 = arith.constant true
      %reduce_max3A_124 = vector.broadcast %reduce_max3A_123 : i1 to vector<16xi1>
      %reduce_max3A_125 = arith.constant -2147483648 : i32
      %reduce_max3A_126 = vector.broadcast %reduce_max3A_125 : i32 to vector<16xi32>
      %reduce_max3A_127 = arith.xori %select_n3A_122, %reduce_max3A_126 : vector<16xi32>
      %reduce_max3A_128 = tpu.scan <max>, %reduce_max3A_127 masked %reduce_max3A_124 : vector<16xi32>, vector<16xi1> -> vector<16xi32>
      %reduce_max3A_129 = arith.xori %reduce_max3A_128, %reduce_max3A_126 : vector<16xi32>
      %reduce_max3A_130 = vector.extract %reduce_max3A_129[15] : i32 from vector<16xi32>
      %shift_right_logical3A_131 = arith.constant 7 : i32
      %shift_right_logical3A_132 = arith.shrui %reduce_max3A_130, %shift_right_logical3A_131 : i32
      %shift_left3A_133 = arith.constant 7 : i32
      %shift_left3A_134 = arith.shli %shift_right_logical3A_132, %shift_left3A_133 : i32
      %multiple_of3A_135 = tpu.assume_multiple %shift_left3A_134, 128 : i32
      %dma_start3A_136 = arith.constant 3 : i32
      %dma_start3A_137 = arith.constant 0 : i32
      %dma_start3A_138 = arith.constant 0 : i32
      %dma_start3A_139 = tpu.memref_slice %arg6[%dma_start3A_136, %dma_start3A_137, %dma_start3A_138] : memref<16x32x128xf32, #tpu.memory_space<vmem>> -> memref<1x32x128xf32, #tpu.memory_space<vmem>>
      %dma_start3A_140 = tpu.memref_squeeze %dma_start3A_139 : memref<1x32x128xf32, #tpu.memory_space<vmem>> -> memref<32x128xf32, #tpu.memory_space<vmem>>
      %dma_start3A_141 = arith.constant 0 : i32
      %dma_start3A_142 = tpu.memref_slice %arg3[%dma_start3A_141, %multiple_of3A_135] : memref<32x1000000xf32, #tpu.memory_space<hbm>> -> memref<32x128xf32, #tpu.memory_space<hbm>>
      %dma_start3A_143 = arith.constant 0 : i32
      %dma_start3A_144 = arith.constant 0 : i32
      %dma_start3A_145 = tpu.memref_slice %arg6[%dma_start3A_136, %dma_start3A_143, %dma_start3A_144] : memref<16x32x128xf32, #tpu.memory_space<vmem>> -> memref<1x32x128xf32, #tpu.memory_space<vmem>>
      %dma_start3A_146 = tpu.memref_squeeze %dma_start3A_145 : memref<1x32x128xf32, #tpu.memory_space<vmem>> -> memref<32x128xf32, #tpu.memory_space<vmem>>
      %dma_start3A_147 = arith.constant 0 : i32
      %dma_start3A_148 = tpu.memref_slice %arg3[%dma_start3A_147, %multiple_of3A_135] : memref<32x1000000xf32, #tpu.memory_space<hbm>> -> memref<32x128xf32, #tpu.memory_space<hbm>>
      tpu.enqueue_dma source(%dma_start3A_148 : memref<32x128xf32, #tpu.memory_space<hbm>>) target(%dma_start3A_146 : memref<32x128xf32, #tpu.memory_space<vmem>>) target_semaphore(%arg9 : memref<!tpu.dma_semaphore, #tpu.memory_space<semaphore_mem>>)
      %eq3A_149 = arith.constant 4 : i32
      %eq3A_150 = vector.broadcast %eq3A_149 : i32 to vector<16xi32>
      %eq3A_151 = arith.cmpi eq, %iota3A, %eq3A_150 : vector<16xi32>
      %jit3A_152 = arith.constant 0 : i32
      %broadcast_in_dim3A_153 = vector.broadcast %jit3A_152 : i32 to vector<16xi32>
      %select_n3A_154 = arith.select %eq3A_151, %select_n3A, %broadcast_in_dim3A_153 : vector<16xi1>, vector<16xi32>
      %reduce_max3A_155 = arith.constant true
      %reduce_max3A_156 = vector.broadcast %reduce_max3A_155 : i1 to vector<16xi1>
      %reduce_max3A_157 = arith.constant -2147483648 : i32
      %reduce_max3A_158 = vector.broadcast %reduce_max3A_157 : i32 to vector<16xi32>
      %reduce_max3A_159 = arith.xori %select_n3A_154, %reduce_max3A_158 : vector<16xi32>
      %reduce_max3A_160 = tpu.scan <max>, %reduce_max3A_159 masked %reduce_max3A_156 : vector<16xi32>, vector<16xi1> -> vector<16xi32>
      %reduce_max3A_161 = arith.xori %reduce_max3A_160, %reduce_max3A_158 : vector<16xi32>
      %reduce_max3A_162 = vector.extract %reduce_max3A_161[15] : i32 from vector<16xi32>
      %shift_right_logical3A_163 = arith.constant 7 : i32
      %shift_right_logical3A_164 = arith.shrui %reduce_max3A_162, %shift_right_logical3A_163 : i32
      %shift_left3A_165 = arith.constant 7 : i32
      %shift_left3A_166 = arith.shli %shift_right_logical3A_164, %shift_left3A_165 : i32
      %multiple_of3A_167 = tpu.assume_multiple %shift_left3A_166, 128 : i32
      %dma_start3A_168 = arith.constant 4 : i32
      %dma_start3A_169 = arith.constant 0 : i32
      %dma_start3A_170 = arith.constant 0 : i32
      %dma_start3A_171 = tpu.memref_slice %arg6[%dma_start3A_168, %dma_start3A_169, %dma_start3A_170] : memref<16x32x128xf32, #tpu.memory_space<vmem>> -> memref<1x32x128xf32, #tpu.memory_space<vmem>>
      %dma_start3A_172 = tpu.memref_squeeze %dma_start3A_171 : memref<1x32x128xf32, #tpu.memory_space<vmem>> -> memref<32x128xf32, #tpu.memory_space<vmem>>
      %dma_start3A_173 = arith.constant 0 : i32
      %dma_start3A_174 = tpu.memref_slice %arg3[%dma_start3A_173, %multiple_of3A_167] : memref<32x1000000xf32, #tpu.memory_space<hbm>> -> memref<32x128xf32, #tpu.memory_space<hbm>>
      %dma_start3A_175 = arith.constant 0 : i32
      %dma_start3A_176 = arith.constant 0 : i32
      %dma_start3A_177 = tpu.memref_slice %arg6[%dma_start3A_168, %dma_start3A_175, %dma_start3A_176] : memref<16x32x128xf32, #tpu.memory_space<vmem>> -> memref<1x32x128xf32, #tpu.memory_space<vmem>>
      %dma_start3A_178 = tpu.memref_squeeze %dma_start3A_177 : memref<1x32x128xf32, #tpu.memory_space<vmem>> -> memref<32x128xf32, #tpu.memory_space<vmem>>
      %dma_start3A_179 = arith.constant 0 : i32
      %dma_start3A_180 = tpu.memref_slice %arg3[%dma_start3A_179, %multiple_of3A_167] : memref<32x1000000xf32, #tpu.memory_space<hbm>> -> memref<32x128xf32, #tpu.memory_space<hbm>>
      tpu.enqueue_dma source(%dma_start3A_180 : memref<32x128xf32, #tpu.memory_space<hbm>>) target(%dma_start3A_178 : memref<32x128xf32, #tpu.memory_space<vmem>>) target_semaphore(%arg9 : memref<!tpu.dma_semaphore, #tpu.memory_space<semaphore_mem>>)
      %eq3A_181 = arith.constant 5 : i32
      %eq3A_182 = vector.broadcast %eq3A_181 : i32 to vector<16xi32>
      %eq3A_183 = arith.cmpi eq, %iota3A, %eq3A_182 : vector<16xi32>
      %jit3A_184 = arith.constant 0 : i32
      %broadcast_in_dim3A_185 = vector.broadcast %jit3A_184 : i32 to vector<16xi32>
      %select_n3A_186 = arith.select %eq3A_183, %select_n3A, %broadcast_in_dim3A_185 : vector<16xi1>, vector<16xi32>
      %reduce_max3A_187 = arith.constant true
      %reduce_max3A_188 = vector.broadcast %reduce_max3A_187 : i1 to vector<16xi1>
      %reduce_max3A_189 = arith.constant -2147483648 : i32
      %reduce_max3A_190 = vector.broadcast %reduce_max3A_189 : i32 to vector<16xi32>
      %reduce_max3A_191 = arith.xori %select_n3A_186, %reduce_max3A_190 : vector<16xi32>
      %reduce_max3A_192 = tpu.scan <max>, %reduce_max3A_191 masked %reduce_max3A_188 : vector<16xi32>, vector<16xi1> -> vector<16xi32>
      %reduce_max3A_193 = arith.xori %reduce_max3A_192, %reduce_max3A_190 : vector<16xi32>
      %reduce_max3A_194 = vector.extract %reduce_max3A_193[15] : i32 from vector<16xi32>
      %shift_right_logical3A_195 = arith.constant 7 : i32
      %shift_right_logical3A_196 = arith.shrui %reduce_max3A_194, %shift_right_logical3A_195 : i32
      %shift_left3A_197 = arith.constant 7 : i32
      %shift_left3A_198 = arith.shli %shift_right_logical3A_196, %shift_left3A_197 : i32
      %multiple_of3A_199 = tpu.assume_multiple %shift_left3A_198, 128 : i32
      %dma_start3A_200 = arith.constant 5 : i32
      %dma_start3A_201 = arith.constant 0 : i32
      %dma_start3A_202 = arith.constant 0 : i32
      %dma_start3A_203 = tpu.memref_slice %arg6[%dma_start3A_200, %dma_start3A_201, %dma_start3A_202] : memref<16x32x128xf32, #tpu.memory_space<vmem>> -> memref<1x32x128xf32, #tpu.memory_space<vmem>>
      %dma_start3A_204 = tpu.memref_squeeze %dma_start3A_203 : memref<1x32x128xf32, #tpu.memory_space<vmem>> -> memref<32x128xf32, #tpu.memory_space<vmem>>
      %dma_start3A_205 = arith.constant 0 : i32
      %dma_start3A_206 = tpu.memref_slice %arg3[%dma_start3A_205, %multiple_of3A_199] : memref<32x1000000xf32, #tpu.memory_space<hbm>> -> memref<32x128xf32, #tpu.memory_space<hbm>>
      %dma_start3A_207 = arith.constant 0 : i32
      %dma_start3A_208 = arith.constant 0 : i32
      %dma_start3A_209 = tpu.memref_slice %arg6[%dma_start3A_200, %dma_start3A_207, %dma_start3A_208] : memref<16x32x128xf32, #tpu.memory_space<vmem>> -> memref<1x32x128xf32, #tpu.memory_space<vmem>>
      %dma_start3A_210 = tpu.memref_squeeze %dma_start3A_209 : memref<1x32x128xf32, #tpu.memory_space<vmem>> -> memref<32x128xf32, #tpu.memory_space<vmem>>
      %dma_start3A_211 = arith.constant 0 : i32
      %dma_start3A_212 = tpu.memref_slice %arg3[%dma_start3A_211, %multiple_of3A_199] : memref<32x1000000xf32, #tpu.memory_space<hbm>> -> memref<32x128xf32, #tpu.memory_space<hbm>>
      tpu.enqueue_dma source(%dma_start3A_212 : memref<32x128xf32, #tpu.memory_space<hbm>>) target(%dma_start3A_210 : memref<32x128xf32, #tpu.memory_space<vmem>>) target_semaphore(%arg9 : memref<!tpu.dma_semaphore, #tpu.memory_space<semaphore_mem>>)
      %eq3A_213 = arith.constant 6 : i32
      %eq3A_214 = vector.broadcast %eq3A_213 : i32 to vector<16xi32>
      %eq3A_215 = arith.cmpi eq, %iota3A, %eq3A_214 : vector<16xi32>
      %jit3A_216 = arith.constant 0 : i32
      %broadcast_in_dim3A_217 = vector.broadcast %jit3A_216 : i32 to vector<16xi32>
      %select_n3A_218 = arith.select %eq3A_215, %select_n3A, %broadcast_in_dim3A_217 : vector<16xi1>, vector<16xi32>
      %reduce_max3A_219 = arith.constant true
      %reduce_max3A_220 = vector.broadcast %reduce_max3A_219 : i1 to vector<16xi1>
      %reduce_max3A_221 = arith.constant -2147483648 : i32
      %reduce_max3A_222 = vector.broadcast %reduce_max3A_221 : i32 to vector<16xi32>
      %reduce_max3A_223 = arith.xori %select_n3A_218, %reduce_max3A_222 : vector<16xi32>
      %reduce_max3A_224 = tpu.scan <max>, %reduce_max3A_223 masked %reduce_max3A_220 : vector<16xi32>, vector<16xi1> -> vector<16xi32>
      %reduce_max3A_225 = arith.xori %reduce_max3A_224, %reduce_max3A_222 : vector<16xi32>
      %reduce_max3A_226 = vector.extract %reduce_max3A_225[15] : i32 from vector<16xi32>
      %shift_right_logical3A_227 = arith.constant 7 : i32
      %shift_right_logical3A_228 = arith.shrui %reduce_max3A_226, %shift_right_logical3A_227 : i32
      %shift_left3A_229 = arith.constant 7 : i32
      %shift_left3A_230 = arith.shli %shift_right_logical3A_228, %shift_left3A_229 : i32
      %multiple_of3A_231 = tpu.assume_multiple %shift_left3A_230, 128 : i32
      %dma_start3A_232 = arith.constant 6 : i32
      %dma_start3A_233 = arith.constant 0 : i32
      %dma_start3A_234 = arith.constant 0 : i32
      %dma_start3A_235 = tpu.memref_slice %arg6[%dma_start3A_232, %dma_start3A_233, %dma_start3A_234] : memref<16x32x128xf32, #tpu.memory_space<vmem>> -> memref<1x32x128xf32, #tpu.memory_space<vmem>>
      %dma_start3A_236 = tpu.memref_squeeze %dma_start3A_235 : memref<1x32x128xf32, #tpu.memory_space<vmem>> -> memref<32x128xf32, #tpu.memory_space<vmem>>
      %dma_start3A_237 = arith.constant 0 : i32
      %dma_start3A_238 = tpu.memref_slice %arg3[%dma_start3A_237, %multiple_of3A_231] : memref<32x1000000xf32, #tpu.memory_space<hbm>> -> memref<32x128xf32, #tpu.memory_space<hbm>>
      %dma_start3A_239 = arith.constant 0 : i32
      %dma_start3A_240 = arith.constant 0 : i32
      %dma_start3A_241 = tpu.memref_slice %arg6[%dma_start3A_232, %dma_start3A_239, %dma_start3A_240] : memref<16x32x128xf32, #tpu.memory_space<vmem>> -> memref<1x32x128xf32, #tpu.memory_space<vmem>>
      %dma_start3A_242 = tpu.memref_squeeze %dma_start3A_241 : memref<1x32x128xf32, #tpu.memory_space<vmem>> -> memref<32x128xf32, #tpu.memory_space<vmem>>
      %dma_start3A_243 = arith.constant 0 : i32
      %dma_start3A_244 = tpu.memref_slice %arg3[%dma_start3A_243, %multiple_of3A_231] : memref<32x1000000xf32, #tpu.memory_space<hbm>> -> memref<32x128xf32, #tpu.memory_space<hbm>>
      tpu.enqueue_dma source(%dma_start3A_244 : memref<32x128xf32, #tpu.memory_space<hbm>>) target(%dma_start3A_242 : memref<32x128xf32, #tpu.memory_space<vmem>>) target_semaphore(%arg9 : memref<!tpu.dma_semaphore, #tpu.memory_space<semaphore_mem>>)
      %eq3A_245 = arith.constant 7 : i32
      %eq3A_246 = vector.broadcast %eq3A_245 : i32 to vector<16xi32>
      %eq3A_247 = arith.cmpi eq, %iota3A, %eq3A_246 : vector<16xi32>
      %jit3A_248 = arith.constant 0 : i32
      %broadcast_in_dim3A_249 = vector.broadcast %jit3A_248 : i32 to vector<16xi32>
      %select_n3A_250 = arith.select %eq3A_247, %select_n3A, %broadcast_in_dim3A_249 : vector<16xi1>, vector<16xi32>
      %reduce_max3A_251 = arith.constant true
      %reduce_max3A_252 = vector.broadcast %reduce_max3A_251 : i1 to vector<16xi1>
      %reduce_max3A_253 = arith.constant -2147483648 : i32
      %reduce_max3A_254 = vector.broadcast %reduce_max3A_253 : i32 to vector<16xi32>
      %reduce_max3A_255 = arith.xori %select_n3A_250, %reduce_max3A_254 : vector<16xi32>
      %reduce_max3A_256 = tpu.scan <max>, %reduce_max3A_255 masked %reduce_max3A_252 : vector<16xi32>, vector<16xi1> -> vector<16xi32>
      %reduce_max3A_257 = arith.xori %reduce_max3A_256, %reduce_max3A_254 : vector<16xi32>
      %reduce_max3A_258 = vector.extract %reduce_max3A_257[15] : i32 from vector<16xi32>
      %shift_right_logical3A_259 = arith.constant 7 : i32
      %shift_right_logical3A_260 = arith.shrui %reduce_max3A_258, %shift_right_logical3A_259 : i32
      %shift_left3A_261 = arith.constant 7 : i32
      %shift_left3A_262 = arith.shli %shift_right_logical3A_260, %shift_left3A_261 : i32
      %multiple_of3A_263 = tpu.assume_multiple %shift_left3A_262, 128 : i32
      %dma_start3A_264 = arith.constant 7 : i32
      %dma_start3A_265 = arith.constant 0 : i32
      %dma_start3A_266 = arith.constant 0 : i32
      %dma_start3A_267 = tpu.memref_slice %arg6[%dma_start3A_264, %dma_start3A_265, %dma_start3A_266] : memref<16x32x128xf32, #tpu.memory_space<vmem>> -> memref<1x32x128xf32, #tpu.memory_space<vmem>>
      %dma_start3A_268 = tpu.memref_squeeze %dma_start3A_267 : memref<1x32x128xf32, #tpu.memory_space<vmem>> -> memref<32x128xf32, #tpu.memory_space<vmem>>
      %dma_start3A_269 = arith.constant 0 : i32
      %dma_start3A_270 = tpu.memref_slice %arg3[%dma_start3A_269, %multiple_of3A_263] : memref<32x1000000xf32, #tpu.memory_space<hbm>> -> memref<32x128xf32, #tpu.memory_space<hbm>>
      %dma_start3A_271 = arith.constant 0 : i32
      %dma_start3A_272 = arith.constant 0 : i32
      %dma_start3A_273 = tpu.memref_slice %arg6[%dma_start3A_264, %dma_start3A_271, %dma_start3A_272] : memref<16x32x128xf32, #tpu.memory_space<vmem>> -> memref<1x32x128xf32, #tpu.memory_space<vmem>>
      %dma_start3A_274 = tpu.memref_squeeze %dma_start3A_273 : memref<1x32x128xf32, #tpu.memory_space<vmem>> -> memref<32x128xf32, #tpu.memory_space<vmem>>
      %dma_start3A_275 = arith.constant 0 : i32
      %dma_start3A_276 = tpu.memref_slice %arg3[%dma_start3A_275, %multiple_of3A_263] : memref<32x1000000xf32, #tpu.memory_space<hbm>> -> memref<32x128xf32, #tpu.memory_space<hbm>>
      tpu.enqueue_dma source(%dma_start3A_276 : memref<32x128xf32, #tpu.memory_space<hbm>>) target(%dma_start3A_274 : memref<32x128xf32, #tpu.memory_space<vmem>>) target_semaphore(%arg9 : memref<!tpu.dma_semaphore, #tpu.memory_space<semaphore_mem>>)
      %eq3A_277 = arith.constant 8 : i32
      %eq3A_278 = vector.broadcast %eq3A_277 : i32 to vector<16xi32>
      %eq3A_279 = arith.cmpi eq, %iota3A, %eq3A_278 : vector<16xi32>
      %jit3A_280 = arith.constant 0 : i32
      %broadcast_in_dim3A_281 = vector.broadcast %jit3A_280 : i32 to vector<16xi32>
      %select_n3A_282 = arith.select %eq3A_279, %select_n3A, %broadcast_in_dim3A_281 : vector<16xi1>, vector<16xi32>
      %reduce_max3A_283 = arith.constant true
      %reduce_max3A_284 = vector.broadcast %reduce_max3A_283 : i1 to vector<16xi1>
      %reduce_max3A_285 = arith.constant -2147483648 : i32
      %reduce_max3A_286 = vector.broadcast %reduce_max3A_285 : i32 to vector<16xi32>
      %reduce_max3A_287 = arith.xori %select_n3A_282, %reduce_max3A_286 : vector<16xi32>
      %reduce_max3A_288 = tpu.scan <max>, %reduce_max3A_287 masked %reduce_max3A_284 : vector<16xi32>, vector<16xi1> -> vector<16xi32>
      %reduce_max3A_289 = arith.xori %reduce_max3A_288, %reduce_max3A_286 : vector<16xi32>
      %reduce_max3A_290 = vector.extract %reduce_max3A_289[15] : i32 from vector<16xi32>
      %shift_right_logical3A_291 = arith.constant 7 : i32
      %shift_right_logical3A_292 = arith.shrui %reduce_max3A_290, %shift_right_logical3A_291 : i32
      %shift_left3A_293 = arith.constant 7 : i32
      %shift_left3A_294 = arith.shli %shift_right_logical3A_292, %shift_left3A_293 : i32
      %multiple_of3A_295 = tpu.assume_multiple %shift_left3A_294, 128 : i32
      %dma_start3A_296 = arith.constant 8 : i32
      %dma_start3A_297 = arith.constant 0 : i32
      %dma_start3A_298 = arith.constant 0 : i32
      %dma_start3A_299 = tpu.memref_slice %arg6[%dma_start3A_296, %dma_start3A_297, %dma_start3A_298] : memref<16x32x128xf32, #tpu.memory_space<vmem>> -> memref<1x32x128xf32, #tpu.memory_space<vmem>>
      %dma_start3A_300 = tpu.memref_squeeze %dma_start3A_299 : memref<1x32x128xf32, #tpu.memory_space<vmem>> -> memref<32x128xf32, #tpu.memory_space<vmem>>
      %dma_start3A_301 = arith.constant 0 : i32
      %dma_start3A_302 = tpu.memref_slice %arg3[%dma_start3A_301, %multiple_of3A_295] : memref<32x1000000xf32, #tpu.memory_space<hbm>> -> memref<32x128xf32, #tpu.memory_space<hbm>>
      %dma_start3A_303 = arith.constant 0 : i32
      %dma_start3A_304 = arith.constant 0 : i32
      %dma_start3A_305 = tpu.memref_slice %arg6[%dma_start3A_296, %dma_start3A_303, %dma_start3A_304] : memref<16x32x128xf32, #tpu.memory_space<vmem>> -> memref<1x32x128xf32, #tpu.memory_space<vmem>>
      %dma_start3A_306 = tpu.memref_squeeze %dma_start3A_305 : memref<1x32x128xf32, #tpu.memory_space<vmem>> -> memref<32x128xf32, #tpu.memory_space<vmem>>
      %dma_start3A_307 = arith.constant 0 : i32
      %dma_start3A_308 = tpu.memref_slice %arg3[%dma_start3A_307, %multiple_of3A_295] : memref<32x1000000xf32, #tpu.memory_space<hbm>> -> memref<32x128xf32, #tpu.memory_space<hbm>>
      tpu.enqueue_dma source(%dma_start3A_308 : memref<32x128xf32, #tpu.memory_space<hbm>>) target(%dma_start3A_306 : memref<32x128xf32, #tpu.memory_space<vmem>>) target_semaphore(%arg9 : memref<!tpu.dma_semaphore, #tpu.memory_space<semaphore_mem>>)
      %eq3A_309 = arith.constant 9 : i32
      %eq3A_310 = vector.broadcast %eq3A_309 : i32 to vector<16xi32>
      %eq3A_311 = arith.cmpi eq, %iota3A, %eq3A_310 : vector<16xi32>
      %jit3A_312 = arith.constant 0 : i32
      %broadcast_in_dim3A_313 = vector.broadcast %jit3A_312 : i32 to vector<16xi32>
      %select_n3A_314 = arith.select %eq3A_311, %select_n3A, %broadcast_in_dim3A_313 : vector<16xi1>, vector<16xi32>
      %reduce_max3A_315 = arith.constant true
      %reduce_max3A_316 = vector.broadcast %reduce_max3A_315 : i1 to vector<16xi1>
      %reduce_max3A_317 = arith.constant -2147483648 : i32
      %reduce_max3A_318 = vector.broadcast %reduce_max3A_317 : i32 to vector<16xi32>
      %reduce_max3A_319 = arith.xori %select_n3A_314, %reduce_max3A_318 : vector<16xi32>
      %reduce_max3A_320 = tpu.scan <max>, %reduce_max3A_319 masked %reduce_max3A_316 : vector<16xi32>, vector<16xi1> -> vector<16xi32>
      %reduce_max3A_321 = arith.xori %reduce_max3A_320, %reduce_max3A_318 : vector<16xi32>
      %reduce_max3A_322 = vector.extract %reduce_max3A_321[15] : i32 from vector<16xi32>
      %shift_right_logical3A_323 = arith.constant 7 : i32
      %shift_right_logical3A_324 = arith.shrui %reduce_max3A_322, %shift_right_logical3A_323 : i32
      %shift_left3A_325 = arith.constant 7 : i32
      %shift_left3A_326 = arith.shli %shift_right_logical3A_324, %shift_left3A_325 : i32
      %multiple_of3A_327 = tpu.assume_multiple %shift_left3A_326, 128 : i32
      %dma_start3A_328 = arith.constant 9 : i32
      %dma_start3A_329 = arith.constant 0 : i32
      %dma_start3A_330 = arith.constant 0 : i32
      %dma_start3A_331 = tpu.memref_slice %arg6[%dma_start3A_328, %dma_start3A_329, %dma_start3A_330] : memref<16x32x128xf32, #tpu.memory_space<vmem>> -> memref<1x32x128xf32, #tpu.memory_space<vmem>>
      %dma_start3A_332 = tpu.memref_squeeze %dma_start3A_331 : memref<1x32x128xf32, #tpu.memory_space<vmem>> -> memref<32x128xf32, #tpu.memory_space<vmem>>
      %dma_start3A_333 = arith.constant 0 : i32
      %dma_start3A_334 = tpu.memref_slice %arg3[%dma_start3A_333, %multiple_of3A_327] : memref<32x1000000xf32, #tpu.memory_space<hbm>> -> memref<32x128xf32, #tpu.memory_space<hbm>>
      %dma_start3A_335 = arith.constant 0 : i32
      %dma_start3A_336 = arith.constant 0 : i32
      %dma_start3A_337 = tpu.memref_slice %arg6[%dma_start3A_328, %dma_start3A_335, %dma_start3A_336] : memref<16x32x128xf32, #tpu.memory_space<vmem>> -> memref<1x32x128xf32, #tpu.memory_space<vmem>>
      %dma_start3A_338 = tpu.memref_squeeze %dma_start3A_337 : memref<1x32x128xf32, #tpu.memory_space<vmem>> -> memref<32x128xf32, #tpu.memory_space<vmem>>
      %dma_start3A_339 = arith.constant 0 : i32
      %dma_start3A_340 = tpu.memref_slice %arg3[%dma_start3A_339, %multiple_of3A_327] : memref<32x1000000xf32, #tpu.memory_space<hbm>> -> memref<32x128xf32, #tpu.memory_space<hbm>>
      tpu.enqueue_dma source(%dma_start3A_340 : memref<32x128xf32, #tpu.memory_space<hbm>>) target(%dma_start3A_338 : memref<32x128xf32, #tpu.memory_space<vmem>>) target_semaphore(%arg9 : memref<!tpu.dma_semaphore, #tpu.memory_space<semaphore_mem>>)
      %eq3A_341 = arith.constant 10 : i32
      %eq3A_342 = vector.broadcast %eq3A_341 : i32 to vector<16xi32>
      %eq3A_343 = arith.cmpi eq, %iota3A, %eq3A_342 : vector<16xi32>
      %jit3A_344 = arith.constant 0 : i32
      %broadcast_in_dim3A_345 = vector.broadcast %jit3A_344 : i32 to vector<16xi32>
      %select_n3A_346 = arith.select %eq3A_343, %select_n3A, %broadcast_in_dim3A_345 : vector<16xi1>, vector<16xi32>
      %reduce_max3A_347 = arith.constant true
      %reduce_max3A_348 = vector.broadcast %reduce_max3A_347 : i1 to vector<16xi1>
      %reduce_max3A_349 = arith.constant -2147483648 : i32
      %reduce_max3A_350 = vector.broadcast %reduce_max3A_349 : i32 to vector<16xi32>
      %reduce_max3A_351 = arith.xori %select_n3A_346, %reduce_max3A_350 : vector<16xi32>
      %reduce_max3A_352 = tpu.scan <max>, %reduce_max3A_351 masked %reduce_max3A_348 : vector<16xi32>, vector<16xi1> -> vector<16xi32>
      %reduce_max3A_353 = arith.xori %reduce_max3A_352, %reduce_max3A_350 : vector<16xi32>
      %reduce_max3A_354 = vector.extract %reduce_max3A_353[15] : i32 from vector<16xi32>
      %shift_right_logical3A_355 = arith.constant 7 : i32
      %shift_right_logical3A_356 = arith.shrui %reduce_max3A_354, %shift_right_logical3A_355 : i32
      %shift_left3A_357 = arith.constant 7 : i32
      %shift_left3A_358 = arith.shli %shift_right_logical3A_356, %shift_left3A_357 : i32
      %multiple_of3A_359 = tpu.assume_multiple %shift_left3A_358, 128 : i32
      %dma_start3A_360 = arith.constant 10 : i32
      %dma_start3A_361 = arith.constant 0 : i32
      %dma_start3A_362 = arith.constant 0 : i32
      %dma_start3A_363 = tpu.memref_slice %arg6[%dma_start3A_360, %dma_start3A_361, %dma_start3A_362] : memref<16x32x128xf32, #tpu.memory_space<vmem>> -> memref<1x32x128xf32, #tpu.memory_space<vmem>>
      %dma_start3A_364 = tpu.memref_squeeze %dma_start3A_363 : memref<1x32x128xf32, #tpu.memory_space<vmem>> -> memref<32x128xf32, #tpu.memory_space<vmem>>
      %dma_start3A_365 = arith.constant 0 : i32
      %dma_start3A_366 = tpu.memref_slice %arg3[%dma_start3A_365, %multiple_of3A_359] : memref<32x1000000xf32, #tpu.memory_space<hbm>> -> memref<32x128xf32, #tpu.memory_space<hbm>>
      %dma_start3A_367 = arith.constant 0 : i32
      %dma_start3A_368 = arith.constant 0 : i32
      %dma_start3A_369 = tpu.memref_slice %arg6[%dma_start3A_360, %dma_start3A_367, %dma_start3A_368] : memref<16x32x128xf32, #tpu.memory_space<vmem>> -> memref<1x32x128xf32, #tpu.memory_space<vmem>>
      %dma_start3A_370 = tpu.memref_squeeze %dma_start3A_369 : memref<1x32x128xf32, #tpu.memory_space<vmem>> -> memref<32x128xf32, #tpu.memory_space<vmem>>
      %dma_start3A_371 = arith.constant 0 : i32
      %dma_start3A_372 = tpu.memref_slice %arg3[%dma_start3A_371, %multiple_of3A_359] : memref<32x1000000xf32, #tpu.memory_space<hbm>> -> memref<32x128xf32, #tpu.memory_space<hbm>>
      tpu.enqueue_dma source(%dma_start3A_372 : memref<32x128xf32, #tpu.memory_space<hbm>>) target(%dma_start3A_370 : memref<32x128xf32, #tpu.memory_space<vmem>>) target_semaphore(%arg9 : memref<!tpu.dma_semaphore, #tpu.memory_space<semaphore_mem>>)
      %eq3A_373 = arith.constant 11 : i32
      %eq3A_374 = vector.broadcast %eq3A_373 : i32 to vector<16xi32>
      %eq3A_375 = arith.cmpi eq, %iota3A, %eq3A_374 : vector<16xi32>
      %jit3A_376 = arith.constant 0 : i32
      %broadcast_in_dim3A_377 = vector.broadcast %jit3A_376 : i32 to vector<16xi32>
      %select_n3A_378 = arith.select %eq3A_375, %select_n3A, %broadcast_in_dim3A_377 : vector<16xi1>, vector<16xi32>
      %reduce_max3A_379 = arith.constant true
      %reduce_max3A_380 = vector.broadcast %reduce_max3A_379 : i1 to vector<16xi1>
      %reduce_max3A_381 = arith.constant -2147483648 : i32
      %reduce_max3A_382 = vector.broadcast %reduce_max3A_381 : i32 to vector<16xi32>
      %reduce_max3A_383 = arith.xori %select_n3A_378, %reduce_max3A_382 : vector<16xi32>
      %reduce_max3A_384 = tpu.scan <max>, %reduce_max3A_383 masked %reduce_max3A_380 : vector<16xi32>, vector<16xi1> -> vector<16xi32>
      %reduce_max3A_385 = arith.xori %reduce_max3A_384, %reduce_max3A_382 : vector<16xi32>
      %reduce_max3A_386 = vector.extract %reduce_max3A_385[15] : i32 from vector<16xi32>
      %shift_right_logical3A_387 = arith.constant 7 : i32
      %shift_right_logical3A_388 = arith.shrui %reduce_max3A_386, %shift_right_logical3A_387 : i32
      %shift_left3A_389 = arith.constant 7 : i32
      %shift_left3A_390 = arith.shli %shift_right_logical3A_388, %shift_left3A_389 : i32
      %multiple_of3A_391 = tpu.assume_multiple %shift_left3A_390, 128 : i32
      %dma_start3A_392 = arith.constant 11 : i32
      %dma_start3A_393 = arith.constant 0 : i32
      %dma_start3A_394 = arith.constant 0 : i32
      %dma_start3A_395 = tpu.memref_slice %arg6[%dma_start3A_392, %dma_start3A_393, %dma_start3A_394] : memref<16x32x128xf32, #tpu.memory_space<vmem>> -> memref<1x32x128xf32, #tpu.memory_space<vmem>>
      %dma_start3A_396 = tpu.memref_squeeze %dma_start3A_395 : memref<1x32x128xf32, #tpu.memory_space<vmem>> -> memref<32x128xf32, #tpu.memory_space<vmem>>
      %dma_start3A_397 = arith.constant 0 : i32
      %dma_start3A_398 = tpu.memref_slice %arg3[%dma_start3A_397, %multiple_of3A_391] : memref<32x1000000xf32, #tpu.memory_space<hbm>> -> memref<32x128xf32, #tpu.memory_space<hbm>>
      %dma_start3A_399 = arith.constant 0 : i32
      %dma_start3A_400 = arith.constant 0 : i32
      %dma_start3A_401 = tpu.memref_slice %arg6[%dma_start3A_392, %dma_start3A_399, %dma_start3A_400] : memref<16x32x128xf32, #tpu.memory_space<vmem>> -> memref<1x32x128xf32, #tpu.memory_space<vmem>>
      %dma_start3A_402 = tpu.memref_squeeze %dma_start3A_401 : memref<1x32x128xf32, #tpu.memory_space<vmem>> -> memref<32x128xf32, #tpu.memory_space<vmem>>
      %dma_start3A_403 = arith.constant 0 : i32
      %dma_start3A_404 = tpu.memref_slice %arg3[%dma_start3A_403, %multiple_of3A_391] : memref<32x1000000xf32, #tpu.memory_space<hbm>> -> memref<32x128xf32, #tpu.memory_space<hbm>>
      tpu.enqueue_dma source(%dma_start3A_404 : memref<32x128xf32, #tpu.memory_space<hbm>>) target(%dma_start3A_402 : memref<32x128xf32, #tpu.memory_space<vmem>>) target_semaphore(%arg9 : memref<!tpu.dma_semaphore, #tpu.memory_space<semaphore_mem>>)
      %eq3A_405 = arith.constant 12 : i32
      %eq3A_406 = vector.broadcast %eq3A_405 : i32 to vector<16xi32>
      %eq3A_407 = arith.cmpi eq, %iota3A, %eq3A_406 : vector<16xi32>
      %jit3A_408 = arith.constant 0 : i32
      %broadcast_in_dim3A_409 = vector.broadcast %jit3A_408 : i32 to vector<16xi32>
      %select_n3A_410 = arith.select %eq3A_407, %select_n3A, %broadcast_in_dim3A_409 : vector<16xi1>, vector<16xi32>
      %reduce_max3A_411 = arith.constant true
      %reduce_max3A_412 = vector.broadcast %reduce_max3A_411 : i1 to vector<16xi1>
      %reduce_max3A_413 = arith.constant -2147483648 : i32
      %reduce_max3A_414 = vector.broadcast %reduce_max3A_413 : i32 to vector<16xi32>
      %reduce_max3A_415 = arith.xori %select_n3A_410, %reduce_max3A_414 : vector<16xi32>
      %reduce_max3A_416 = tpu.scan <max>, %reduce_max3A_415 masked %reduce_max3A_412 : vector<16xi32>, vector<16xi1> -> vector<16xi32>
      %reduce_max3A_417 = arith.xori %reduce_max3A_416, %reduce_max3A_414 : vector<16xi32>
      %reduce_max3A_418 = vector.extract %reduce_max3A_417[15] : i32 from vector<16xi32>
      %shift_right_logical3A_419 = arith.constant 7 : i32
      %shift_right_logical3A_420 = arith.shrui %reduce_max3A_418, %shift_right_logical3A_419 : i32
      %shift_left3A_421 = arith.constant 7 : i32
      %shift_left3A_422 = arith.shli %shift_right_logical3A_420, %shift_left3A_421 : i32
      %multiple_of3A_423 = tpu.assume_multiple %shift_left3A_422, 128 : i32
      %dma_start3A_424 = arith.constant 12 : i32
      %dma_start3A_425 = arith.constant 0 : i32
      %dma_start3A_426 = arith.constant 0 : i32
      %dma_start3A_427 = tpu.memref_slice %arg6[%dma_start3A_424, %dma_start3A_425, %dma_start3A_426] : memref<16x32x128xf32, #tpu.memory_space<vmem>> -> memref<1x32x128xf32, #tpu.memory_space<vmem>>
      %dma_start3A_428 = tpu.memref_squeeze %dma_start3A_427 : memref<1x32x128xf32, #tpu.memory_space<vmem>> -> memref<32x128xf32, #tpu.memory_space<vmem>>
      %dma_start3A_429 = arith.constant 0 : i32
      %dma_start3A_430 = tpu.memref_slice %arg3[%dma_start3A_429, %multiple_of3A_423] : memref<32x1000000xf32, #tpu.memory_space<hbm>> -> memref<32x128xf32, #tpu.memory_space<hbm>>
      %dma_start3A_431 = arith.constant 0 : i32
      %dma_start3A_432 = arith.constant 0 : i32
      %dma_start3A_433 = tpu.memref_slice %arg6[%dma_start3A_424, %dma_start3A_431, %dma_start3A_432] : memref<16x32x128xf32, #tpu.memory_space<vmem>> -> memref<1x32x128xf32, #tpu.memory_space<vmem>>
      %dma_start3A_434 = tpu.memref_squeeze %dma_start3A_433 : memref<1x32x128xf32, #tpu.memory_space<vmem>> -> memref<32x128xf32, #tpu.memory_space<vmem>>
      %dma_start3A_435 = arith.constant 0 : i32
      %dma_start3A_436 = tpu.memref_slice %arg3[%dma_start3A_435, %multiple_of3A_423] : memref<32x1000000xf32, #tpu.memory_space<hbm>> -> memref<32x128xf32, #tpu.memory_space<hbm>>
      tpu.enqueue_dma source(%dma_start3A_436 : memref<32x128xf32, #tpu.memory_space<hbm>>) target(%dma_start3A_434 : memref<32x128xf32, #tpu.memory_space<vmem>>) target_semaphore(%arg9 : memref<!tpu.dma_semaphore, #tpu.memory_space<semaphore_mem>>)
      %eq3A_437 = arith.constant 13 : i32
      %eq3A_438 = vector.broadcast %eq3A_437 : i32 to vector<16xi32>
      %eq3A_439 = arith.cmpi eq, %iota3A, %eq3A_438 : vector<16xi32>
      %jit3A_440 = arith.constant 0 : i32
      %broadcast_in_dim3A_441 = vector.broadcast %jit3A_440 : i32 to vector<16xi32>
      %select_n3A_442 = arith.select %eq3A_439, %select_n3A, %broadcast_in_dim3A_441 : vector<16xi1>, vector<16xi32>
      %reduce_max3A_443 = arith.constant true
      %reduce_max3A_444 = vector.broadcast %reduce_max3A_443 : i1 to vector<16xi1>
      %reduce_max3A_445 = arith.constant -2147483648 : i32
      %reduce_max3A_446 = vector.broadcast %reduce_max3A_445 : i32 to vector<16xi32>
      %reduce_max3A_447 = arith.xori %select_n3A_442, %reduce_max3A_446 : vector<16xi32>
      %reduce_max3A_448 = tpu.scan <max>, %reduce_max3A_447 masked %reduce_max3A_444 : vector<16xi32>, vector<16xi1> -> vector<16xi32>
      %reduce_max3A_449 = arith.xori %reduce_max3A_448, %reduce_max3A_446 : vector<16xi32>
      %reduce_max3A_450 = vector.extract %reduce_max3A_449[15] : i32 from vector<16xi32>
      %shift_right_logical3A_451 = arith.constant 7 : i32
      %shift_right_logical3A_452 = arith.shrui %reduce_max3A_450, %shift_right_logical3A_451 : i32
      %shift_left3A_453 = arith.constant 7 : i32
      %shift_left3A_454 = arith.shli %shift_right_logical3A_452, %shift_left3A_453 : i32
      %multiple_of3A_455 = tpu.assume_multiple %shift_left3A_454, 128 : i32
      %dma_start3A_456 = arith.constant 13 : i32
      %dma_start3A_457 = arith.constant 0 : i32
      %dma_start3A_458 = arith.constant 0 : i32
      %dma_start3A_459 = tpu.memref_slice %arg6[%dma_start3A_456, %dma_start3A_457, %dma_start3A_458] : memref<16x32x128xf32, #tpu.memory_space<vmem>> -> memref<1x32x128xf32, #tpu.memory_space<vmem>>
      %dma_start3A_460 = tpu.memref_squeeze %dma_start3A_459 : memref<1x32x128xf32, #tpu.memory_space<vmem>> -> memref<32x128xf32, #tpu.memory_space<vmem>>
      %dma_start3A_461 = arith.constant 0 : i32
      %dma_start3A_462 = tpu.memref_slice %arg3[%dma_start3A_461, %multiple_of3A_455] : memref<32x1000000xf32, #tpu.memory_space<hbm>> -> memref<32x128xf32, #tpu.memory_space<hbm>>
      %dma_start3A_463 = arith.constant 0 : i32
      %dma_start3A_464 = arith.constant 0 : i32
      %dma_start3A_465 = tpu.memref_slice %arg6[%dma_start3A_456, %dma_start3A_463, %dma_start3A_464] : memref<16x32x128xf32, #tpu.memory_space<vmem>> -> memref<1x32x128xf32, #tpu.memory_space<vmem>>
      %dma_start3A_466 = tpu.memref_squeeze %dma_start3A_465 : memref<1x32x128xf32, #tpu.memory_space<vmem>> -> memref<32x128xf32, #tpu.memory_space<vmem>>
      %dma_start3A_467 = arith.constant 0 : i32
      %dma_start3A_468 = tpu.memref_slice %arg3[%dma_start3A_467, %multiple_of3A_455] : memref<32x1000000xf32, #tpu.memory_space<hbm>> -> memref<32x128xf32, #tpu.memory_space<hbm>>
      tpu.enqueue_dma source(%dma_start3A_468 : memref<32x128xf32, #tpu.memory_space<hbm>>) target(%dma_start3A_466 : memref<32x128xf32, #tpu.memory_space<vmem>>) target_semaphore(%arg9 : memref<!tpu.dma_semaphore, #tpu.memory_space<semaphore_mem>>)
      %eq3A_469 = arith.constant 14 : i32
      %eq3A_470 = vector.broadcast %eq3A_469 : i32 to vector<16xi32>
      %eq3A_471 = arith.cmpi eq, %iota3A, %eq3A_470 : vector<16xi32>
      %jit3A_472 = arith.constant 0 : i32
      %broadcast_in_dim3A_473 = vector.broadcast %jit3A_472 : i32 to vector<16xi32>
      %select_n3A_474 = arith.select %eq3A_471, %select_n3A, %broadcast_in_dim3A_473 : vector<16xi1>, vector<16xi32>
      %reduce_max3A_475 = arith.constant true
      %reduce_max3A_476 = vector.broadcast %reduce_max3A_475 : i1 to vector<16xi1>
      %reduce_max3A_477 = arith.constant -2147483648 : i32
      %reduce_max3A_478 = vector.broadcast %reduce_max3A_477 : i32 to vector<16xi32>
      %reduce_max3A_479 = arith.xori %select_n3A_474, %reduce_max3A_478 : vector<16xi32>
      %reduce_max3A_480 = tpu.scan <max>, %reduce_max3A_479 masked %reduce_max3A_476 : vector<16xi32>, vector<16xi1> -> vector<16xi32>
      %reduce_max3A_481 = arith.xori %reduce_max3A_480, %reduce_max3A_478 : vector<16xi32>
      %reduce_max3A_482 = vector.extract %reduce_max3A_481[15] : i32 from vector<16xi32>
      %shift_right_logical3A_483 = arith.constant 7 : i32
      %shift_right_logical3A_484 = arith.shrui %reduce_max3A_482, %shift_right_logical3A_483 : i32
      %shift_left3A_485 = arith.constant 7 : i32
      %shift_left3A_486 = arith.shli %shift_right_logical3A_484, %shift_left3A_485 : i32
      %multiple_of3A_487 = tpu.assume_multiple %shift_left3A_486, 128 : i32
      %dma_start3A_488 = arith.constant 14 : i32
      %dma_start3A_489 = arith.constant 0 : i32
      %dma_start3A_490 = arith.constant 0 : i32
      %dma_start3A_491 = tpu.memref_slice %arg6[%dma_start3A_488, %dma_start3A_489, %dma_start3A_490] : memref<16x32x128xf32, #tpu.memory_space<vmem>> -> memref<1x32x128xf32, #tpu.memory_space<vmem>>
      %dma_start3A_492 = tpu.memref_squeeze %dma_start3A_491 : memref<1x32x128xf32, #tpu.memory_space<vmem>> -> memref<32x128xf32, #tpu.memory_space<vmem>>
      %dma_start3A_493 = arith.constant 0 : i32
      %dma_start3A_494 = tpu.memref_slice %arg3[%dma_start3A_493, %multiple_of3A_487] : memref<32x1000000xf32, #tpu.memory_space<hbm>> -> memref<32x128xf32, #tpu.memory_space<hbm>>
      %dma_start3A_495 = arith.constant 0 : i32
      %dma_start3A_496 = arith.constant 0 : i32
      %dma_start3A_497 = tpu.memref_slice %arg6[%dma_start3A_488, %dma_start3A_495, %dma_start3A_496] : memref<16x32x128xf32, #tpu.memory_space<vmem>> -> memref<1x32x128xf32, #tpu.memory_space<vmem>>
      %dma_start3A_498 = tpu.memref_squeeze %dma_start3A_497 : memref<1x32x128xf32, #tpu.memory_space<vmem>> -> memref<32x128xf32, #tpu.memory_space<vmem>>
      %dma_start3A_499 = arith.constant 0 : i32
      %dma_start3A_500 = tpu.memref_slice %arg3[%dma_start3A_499, %multiple_of3A_487] : memref<32x1000000xf32, #tpu.memory_space<hbm>> -> memref<32x128xf32, #tpu.memory_space<hbm>>
      tpu.enqueue_dma source(%dma_start3A_500 : memref<32x128xf32, #tpu.memory_space<hbm>>) target(%dma_start3A_498 : memref<32x128xf32, #tpu.memory_space<vmem>>) target_semaphore(%arg9 : memref<!tpu.dma_semaphore, #tpu.memory_space<semaphore_mem>>)
      %eq3A_501 = arith.constant 15 : i32
      %eq3A_502 = vector.broadcast %eq3A_501 : i32 to vector<16xi32>
      %eq3A_503 = arith.cmpi eq, %iota3A, %eq3A_502 : vector<16xi32>
      %jit3A_504 = arith.constant 0 : i32
      %broadcast_in_dim3A_505 = vector.broadcast %jit3A_504 : i32 to vector<16xi32>
      %select_n3A_506 = arith.select %eq3A_503, %select_n3A, %broadcast_in_dim3A_505 : vector<16xi1>, vector<16xi32>
      %reduce_max3A_507 = arith.constant true
      %reduce_max3A_508 = vector.broadcast %reduce_max3A_507 : i1 to vector<16xi1>
      %reduce_max3A_509 = arith.constant -2147483648 : i32
      %reduce_max3A_510 = vector.broadcast %reduce_max3A_509 : i32 to vector<16xi32>
      %reduce_max3A_511 = arith.xori %select_n3A_506, %reduce_max3A_510 : vector<16xi32>
      %reduce_max3A_512 = tpu.scan <max>, %reduce_max3A_511 masked %reduce_max3A_508 : vector<16xi32>, vector<16xi1> -> vector<16xi32>
      %reduce_max3A_513 = arith.xori %reduce_max3A_512, %reduce_max3A_510 : vector<16xi32>
      %reduce_max3A_514 = vector.extract %reduce_max3A_513[15] : i32 from vector<16xi32>
      %shift_right_logical3A_515 = arith.constant 7 : i32
      %shift_right_logical3A_516 = arith.shrui %reduce_max3A_514, %shift_right_logical3A_515 : i32
      %shift_left3A_517 = arith.constant 7 : i32
      %shift_left3A_518 = arith.shli %shift_right_logical3A_516, %shift_left3A_517 : i32
      %multiple_of3A_519 = tpu.assume_multiple %shift_left3A_518, 128 : i32
      %dma_start3A_520 = arith.constant 15 : i32
      %dma_start3A_521 = arith.constant 0 : i32
      %dma_start3A_522 = arith.constant 0 : i32
      %dma_start3A_523 = tpu.memref_slice %arg6[%dma_start3A_520, %dma_start3A_521, %dma_start3A_522] : memref<16x32x128xf32, #tpu.memory_space<vmem>> -> memref<1x32x128xf32, #tpu.memory_space<vmem>>
      %dma_start3A_524 = tpu.memref_squeeze %dma_start3A_523 : memref<1x32x128xf32, #tpu.memory_space<vmem>> -> memref<32x128xf32, #tpu.memory_space<vmem>>
      %dma_start3A_525 = arith.constant 0 : i32
      %dma_start3A_526 = tpu.memref_slice %arg3[%dma_start3A_525, %multiple_of3A_519] : memref<32x1000000xf32, #tpu.memory_space<hbm>> -> memref<32x128xf32, #tpu.memory_space<hbm>>
      %dma_start3A_527 = arith.constant 0 : i32
      %dma_start3A_528 = arith.constant 0 : i32
      %dma_start3A_529 = tpu.memref_slice %arg6[%dma_start3A_520, %dma_start3A_527, %dma_start3A_528] : memref<16x32x128xf32, #tpu.memory_space<vmem>> -> memref<1x32x128xf32, #tpu.memory_space<vmem>>
      %dma_start3A_530 = tpu.memref_squeeze %dma_start3A_529 : memref<1x32x128xf32, #tpu.memory_space<vmem>> -> memref<32x128xf32, #tpu.memory_space<vmem>>
      %dma_start3A_531 = arith.constant 0 : i32
      %dma_start3A_532 = tpu.memref_slice %arg3[%dma_start3A_531, %multiple_of3A_519] : memref<32x1000000xf32, #tpu.memory_space<hbm>> -> memref<32x128xf32, #tpu.memory_space<hbm>>
      tpu.enqueue_dma source(%dma_start3A_532 : memref<32x128xf32, #tpu.memory_space<hbm>>) target(%dma_start3A_530 : memref<32x128xf32, #tpu.memory_space<vmem>>) target_semaphore(%arg9 : memref<!tpu.dma_semaphore, #tpu.memory_space<semaphore_mem>>)
      %dma_wait3A_533 = arith.constant 0 : i32
      %dma_wait3A_534 = arith.constant 0 : i32
      %dma_wait3A_535 = arith.constant 0 : i32
      %dma_wait3A_536 = tpu.memref_slice %arg6[%dma_wait3A_533, %dma_wait3A_534, %dma_wait3A_535] : memref<16x32x128xf32, #tpu.memory_space<vmem>> -> memref<1x32x128xf32, #tpu.memory_space<vmem>>
      %dma_wait3A_537 = tpu.memref_squeeze %dma_wait3A_536 : memref<1x32x128xf32, #tpu.memory_space<vmem>> -> memref<32x128xf32, #tpu.memory_space<vmem>>
      %dma_wait3A_538 = arith.constant 0 : i32
      %dma_wait3A_539 = tpu.memref_slice %arg3[%dma_wait3A_538, %multiple_of3A] : memref<32x1000000xf32, #tpu.memory_space<hbm>> -> memref<32x128xf32, #tpu.memory_space<hbm>>
      %dma_wait3A_540 = arith.constant 0 : i32
      %dma_wait3A_541 = arith.constant 0 : i32
      %dma_wait3A_542 = tpu.memref_slice %arg6[%dma_wait3A_533, %dma_wait3A_540, %dma_wait3A_541] : memref<16x32x128xf32, #tpu.memory_space<vmem>> -> memref<1x32x128xf32, #tpu.memory_space<vmem>>
      %dma_wait3A_543 = tpu.memref_squeeze %dma_wait3A_542 : memref<1x32x128xf32, #tpu.memory_space<vmem>> -> memref<32x128xf32, #tpu.memory_space<vmem>>
      %dma_wait3A_544 = arith.constant 0 : i32
      %dma_wait3A_545 = tpu.memref_slice %arg3[%dma_wait3A_544, %multiple_of3A] : memref<32x1000000xf32, #tpu.memory_space<hbm>> -> memref<32x128xf32, #tpu.memory_space<hbm>>
      tpu.wait_dma2 semaphore(%arg9 : memref<!tpu.dma_semaphore, #tpu.memory_space<semaphore_mem>>) src(%dma_wait3A_545 : memref<32x128xf32, #tpu.memory_space<hbm>>) dst(%dma_wait3A_543 : memref<32x128xf32, #tpu.memory_space<vmem>>)
      %dma_wait3A_546 = arith.constant 1 : i32
      %dma_wait3A_547 = arith.constant 0 : i32
      %dma_wait3A_548 = arith.constant 0 : i32
      %dma_wait3A_549 = tpu.memref_slice %arg6[%dma_wait3A_546, %dma_wait3A_547, %dma_wait3A_548] : memref<16x32x128xf32, #tpu.memory_space<vmem>> -> memref<1x32x128xf32, #tpu.memory_space<vmem>>
      %dma_wait3A_550 = tpu.memref_squeeze %dma_wait3A_549 : memref<1x32x128xf32, #tpu.memory_space<vmem>> -> memref<32x128xf32, #tpu.memory_space<vmem>>
      %dma_wait3A_551 = arith.constant 0 : i32
      %dma_wait3A_552 = tpu.memref_slice %arg3[%dma_wait3A_551, %multiple_of3A_71] : memref<32x1000000xf32, #tpu.memory_space<hbm>> -> memref<32x128xf32, #tpu.memory_space<hbm>>
      %dma_wait3A_553 = arith.constant 0 : i32
      %dma_wait3A_554 = arith.constant 0 : i32
      %dma_wait3A_555 = tpu.memref_slice %arg6[%dma_wait3A_546, %dma_wait3A_553, %dma_wait3A_554] : memref<16x32x128xf32, #tpu.memory_space<vmem>> -> memref<1x32x128xf32, #tpu.memory_space<vmem>>
      %dma_wait3A_556 = tpu.memref_squeeze %dma_wait3A_555 : memref<1x32x128xf32, #tpu.memory_space<vmem>> -> memref<32x128xf32, #tpu.memory_space<vmem>>
      %dma_wait3A_557 = arith.constant 0 : i32
      %dma_wait3A_558 = tpu.memref_slice %arg3[%dma_wait3A_557, %multiple_of3A_71] : memref<32x1000000xf32, #tpu.memory_space<hbm>> -> memref<32x128xf32, #tpu.memory_space<hbm>>
      tpu.wait_dma2 semaphore(%arg9 : memref<!tpu.dma_semaphore, #tpu.memory_space<semaphore_mem>>) src(%dma_wait3A_558 : memref<32x128xf32, #tpu.memory_space<hbm>>) dst(%dma_wait3A_556 : memref<32x128xf32, #tpu.memory_space<vmem>>)
      %dma_wait3A_559 = arith.constant 2 : i32
      %dma_wait3A_560 = arith.constant 0 : i32
      %dma_wait3A_561 = arith.constant 0 : i32
      %dma_wait3A_562 = tpu.memref_slice %arg6[%dma_wait3A_559, %dma_wait3A_560, %dma_wait3A_561] : memref<16x32x128xf32, #tpu.memory_space<vmem>> -> memref<1x32x128xf32, #tpu.memory_space<vmem>>
      %dma_wait3A_563 = tpu.memref_squeeze %dma_wait3A_562 : memref<1x32x128xf32, #tpu.memory_space<vmem>> -> memref<32x128xf32, #tpu.memory_space<vmem>>
      %dma_wait3A_564 = arith.constant 0 : i32
      %dma_wait3A_565 = tpu.memref_slice %arg3[%dma_wait3A_564, %multiple_of3A_103] : memref<32x1000000xf32, #tpu.memory_space<hbm>> -> memref<32x128xf32, #tpu.memory_space<hbm>>
      %dma_wait3A_566 = arith.constant 0 : i32
      %dma_wait3A_567 = arith.constant 0 : i32
      %dma_wait3A_568 = tpu.memref_slice %arg6[%dma_wait3A_559, %dma_wait3A_566, %dma_wait3A_567] : memref<16x32x128xf32, #tpu.memory_space<vmem>> -> memref<1x32x128xf32, #tpu.memory_space<vmem>>
      %dma_wait3A_569 = tpu.memref_squeeze %dma_wait3A_568 : memref<1x32x128xf32, #tpu.memory_space<vmem>> -> memref<32x128xf32, #tpu.memory_space<vmem>>
      %dma_wait3A_570 = arith.constant 0 : i32
      %dma_wait3A_571 = tpu.memref_slice %arg3[%dma_wait3A_570, %multiple_of3A_103] : memref<32x1000000xf32, #tpu.memory_space<hbm>> -> memref<32x128xf32, #tpu.memory_space<hbm>>
      tpu.wait_dma2 semaphore(%arg9 : memref<!tpu.dma_semaphore, #tpu.memory_space<semaphore_mem>>) src(%dma_wait3A_571 : memref<32x128xf32, #tpu.memory_space<hbm>>) dst(%dma_wait3A_569 : memref<32x128xf32, #tpu.memory_space<vmem>>)
      %dma_wait3A_572 = arith.constant 3 : i32
      %dma_wait3A_573 = arith.constant 0 : i32
      %dma_wait3A_574 = arith.constant 0 : i32
      %dma_wait3A_575 = tpu.memref_slice %arg6[%dma_wait3A_572, %dma_wait3A_573, %dma_wait3A_574] : memref<16x32x128xf32, #tpu.memory_space<vmem>> -> memref<1x32x128xf32, #tpu.memory_space<vmem>>
      %dma_wait3A_576 = tpu.memref_squeeze %dma_wait3A_575 : memref<1x32x128xf32, #tpu.memory_space<vmem>> -> memref<32x128xf32, #tpu.memory_space<vmem>>
      %dma_wait3A_577 = arith.constant 0 : i32
      %dma_wait3A_578 = tpu.memref_slice %arg3[%dma_wait3A_577, %multiple_of3A_135] : memref<32x1000000xf32, #tpu.memory_space<hbm>> -> memref<32x128xf32, #tpu.memory_space<hbm>>
      %dma_wait3A_579 = arith.constant 0 : i32
      %dma_wait3A_580 = arith.constant 0 : i32
      %dma_wait3A_581 = tpu.memref_slice %arg6[%dma_wait3A_572, %dma_wait3A_579, %dma_wait3A_580] : memref<16x32x128xf32, #tpu.memory_space<vmem>> -> memref<1x32x128xf32, #tpu.memory_space<vmem>>
      %dma_wait3A_582 = tpu.memref_squeeze %dma_wait3A_581 : memref<1x32x128xf32, #tpu.memory_space<vmem>> -> memref<32x128xf32, #tpu.memory_space<vmem>>
      %dma_wait3A_583 = arith.constant 0 : i32
      %dma_wait3A_584 = tpu.memref_slice %arg3[%dma_wait3A_583, %multiple_of3A_135] : memref<32x1000000xf32, #tpu.memory_space<hbm>> -> memref<32x128xf32, #tpu.memory_space<hbm>>
      tpu.wait_dma2 semaphore(%arg9 : memref<!tpu.dma_semaphore, #tpu.memory_space<semaphore_mem>>) src(%dma_wait3A_584 : memref<32x128xf32, #tpu.memory_space<hbm>>) dst(%dma_wait3A_582 : memref<32x128xf32, #tpu.memory_space<vmem>>)
      %dma_wait3A_585 = arith.constant 4 : i32
      %dma_wait3A_586 = arith.constant 0 : i32
      %dma_wait3A_587 = arith.constant 0 : i32
      %dma_wait3A_588 = tpu.memref_slice %arg6[%dma_wait3A_585, %dma_wait3A_586, %dma_wait3A_587] : memref<16x32x128xf32, #tpu.memory_space<vmem>> -> memref<1x32x128xf32, #tpu.memory_space<vmem>>
      %dma_wait3A_589 = tpu.memref_squeeze %dma_wait3A_588 : memref<1x32x128xf32, #tpu.memory_space<vmem>> -> memref<32x128xf32, #tpu.memory_space<vmem>>
      %dma_wait3A_590 = arith.constant 0 : i32
      %dma_wait3A_591 = tpu.memref_slice %arg3[%dma_wait3A_590, %multiple_of3A_167] : memref<32x1000000xf32, #tpu.memory_space<hbm>> -> memref<32x128xf32, #tpu.memory_space<hbm>>
      %dma_wait3A_592 = arith.constant 0 : i32
      %dma_wait3A_593 = arith.constant 0 : i32
      %dma_wait3A_594 = tpu.memref_slice %arg6[%dma_wait3A_585, %dma_wait3A_592, %dma_wait3A_593] : memref<16x32x128xf32, #tpu.memory_space<vmem>> -> memref<1x32x128xf32, #tpu.memory_space<vmem>>
      %dma_wait3A_595 = tpu.memref_squeeze %dma_wait3A_594 : memref<1x32x128xf32, #tpu.memory_space<vmem>> -> memref<32x128xf32, #tpu.memory_space<vmem>>
      %dma_wait3A_596 = arith.constant 0 : i32
      %dma_wait3A_597 = tpu.memref_slice %arg3[%dma_wait3A_596, %multiple_of3A_167] : memref<32x1000000xf32, #tpu.memory_space<hbm>> -> memref<32x128xf32, #tpu.memory_space<hbm>>
      tpu.wait_dma2 semaphore(%arg9 : memref<!tpu.dma_semaphore, #tpu.memory_space<semaphore_mem>>) src(%dma_wait3A_597 : memref<32x128xf32, #tpu.memory_space<hbm>>) dst(%dma_wait3A_595 : memref<32x128xf32, #tpu.memory_space<vmem>>)
      %dma_wait3A_598 = arith.constant 5 : i32
      %dma_wait3A_599 = arith.constant 0 : i32
      %dma_wait3A_600 = arith.constant 0 : i32
      %dma_wait3A_601 = tpu.memref_slice %arg6[%dma_wait3A_598, %dma_wait3A_599, %dma_wait3A_600] : memref<16x32x128xf32, #tpu.memory_space<vmem>> -> memref<1x32x128xf32, #tpu.memory_space<vmem>>
      %dma_wait3A_602 = tpu.memref_squeeze %dma_wait3A_601 : memref<1x32x128xf32, #tpu.memory_space<vmem>> -> memref<32x128xf32, #tpu.memory_space<vmem>>
      %dma_wait3A_603 = arith.constant 0 : i32
      %dma_wait3A_604 = tpu.memref_slice %arg3[%dma_wait3A_603, %multiple_of3A_199] : memref<32x1000000xf32, #tpu.memory_space<hbm>> -> memref<32x128xf32, #tpu.memory_space<hbm>>
      %dma_wait3A_605 = arith.constant 0 : i32
      %dma_wait3A_606 = arith.constant 0 : i32
      %dma_wait3A_607 = tpu.memref_slice %arg6[%dma_wait3A_598, %dma_wait3A_605, %dma_wait3A_606] : memref<16x32x128xf32, #tpu.memory_space<vmem>> -> memref<1x32x128xf32, #tpu.memory_space<vmem>>
      %dma_wait3A_608 = tpu.memref_squeeze %dma_wait3A_607 : memref<1x32x128xf32, #tpu.memory_space<vmem>> -> memref<32x128xf32, #tpu.memory_space<vmem>>
      %dma_wait3A_609 = arith.constant 0 : i32
      %dma_wait3A_610 = tpu.memref_slice %arg3[%dma_wait3A_609, %multiple_of3A_199] : memref<32x1000000xf32, #tpu.memory_space<hbm>> -> memref<32x128xf32, #tpu.memory_space<hbm>>
      tpu.wait_dma2 semaphore(%arg9 : memref<!tpu.dma_semaphore, #tpu.memory_space<semaphore_mem>>) src(%dma_wait3A_610 : memref<32x128xf32, #tpu.memory_space<hbm>>) dst(%dma_wait3A_608 : memref<32x128xf32, #tpu.memory_space<vmem>>)
      %dma_wait3A_611 = arith.constant 6 : i32
      %dma_wait3A_612 = arith.constant 0 : i32
      %dma_wait3A_613 = arith.constant 0 : i32
      %dma_wait3A_614 = tpu.memref_slice %arg6[%dma_wait3A_611, %dma_wait3A_612, %dma_wait3A_613] : memref<16x32x128xf32, #tpu.memory_space<vmem>> -> memref<1x32x128xf32, #tpu.memory_space<vmem>>
      %dma_wait3A_615 = tpu.memref_squeeze %dma_wait3A_614 : memref<1x32x128xf32, #tpu.memory_space<vmem>> -> memref<32x128xf32, #tpu.memory_space<vmem>>
      %dma_wait3A_616 = arith.constant 0 : i32
      %dma_wait3A_617 = tpu.memref_slice %arg3[%dma_wait3A_616, %multiple_of3A_231] : memref<32x1000000xf32, #tpu.memory_space<hbm>> -> memref<32x128xf32, #tpu.memory_space<hbm>>
      %dma_wait3A_618 = arith.constant 0 : i32
      %dma_wait3A_619 = arith.constant 0 : i32
      %dma_wait3A_620 = tpu.memref_slice %arg6[%dma_wait3A_611, %dma_wait3A_618, %dma_wait3A_619] : memref<16x32x128xf32, #tpu.memory_space<vmem>> -> memref<1x32x128xf32, #tpu.memory_space<vmem>>
      %dma_wait3A_621 = tpu.memref_squeeze %dma_wait3A_620 : memref<1x32x128xf32, #tpu.memory_space<vmem>> -> memref<32x128xf32, #tpu.memory_space<vmem>>
      %dma_wait3A_622 = arith.constant 0 : i32
      %dma_wait3A_623 = tpu.memref_slice %arg3[%dma_wait3A_622, %multiple_of3A_231] : memref<32x1000000xf32, #tpu.memory_space<hbm>> -> memref<32x128xf32, #tpu.memory_space<hbm>>
      tpu.wait_dma2 semaphore(%arg9 : memref<!tpu.dma_semaphore, #tpu.memory_space<semaphore_mem>>) src(%dma_wait3A_623 : memref<32x128xf32, #tpu.memory_space<hbm>>) dst(%dma_wait3A_621 : memref<32x128xf32, #tpu.memory_space<vmem>>)
      %dma_wait3A_624 = arith.constant 7 : i32
      %dma_wait3A_625 = arith.constant 0 : i32
      %dma_wait3A_626 = arith.constant 0 : i32
      %dma_wait3A_627 = tpu.memref_slice %arg6[%dma_wait3A_624, %dma_wait3A_625, %dma_wait3A_626] : memref<16x32x128xf32, #tpu.memory_space<vmem>> -> memref<1x32x128xf32, #tpu.memory_space<vmem>>
      %dma_wait3A_628 = tpu.memref_squeeze %dma_wait3A_627 : memref<1x32x128xf32, #tpu.memory_space<vmem>> -> memref<32x128xf32, #tpu.memory_space<vmem>>
      %dma_wait3A_629 = arith.constant 0 : i32
      %dma_wait3A_630 = tpu.memref_slice %arg3[%dma_wait3A_629, %multiple_of3A_263] : memref<32x1000000xf32, #tpu.memory_space<hbm>> -> memref<32x128xf32, #tpu.memory_space<hbm>>
      %dma_wait3A_631 = arith.constant 0 : i32
      %dma_wait3A_632 = arith.constant 0 : i32
      %dma_wait3A_633 = tpu.memref_slice %arg6[%dma_wait3A_624, %dma_wait3A_631, %dma_wait3A_632] : memref<16x32x128xf32, #tpu.memory_space<vmem>> -> memref<1x32x128xf32, #tpu.memory_space<vmem>>
      %dma_wait3A_634 = tpu.memref_squeeze %dma_wait3A_633 : memref<1x32x128xf32, #tpu.memory_space<vmem>> -> memref<32x128xf32, #tpu.memory_space<vmem>>
      %dma_wait3A_635 = arith.constant 0 : i32
      %dma_wait3A_636 = tpu.memref_slice %arg3[%dma_wait3A_635, %multiple_of3A_263] : memref<32x1000000xf32, #tpu.memory_space<hbm>> -> memref<32x128xf32, #tpu.memory_space<hbm>>
      tpu.wait_dma2 semaphore(%arg9 : memref<!tpu.dma_semaphore, #tpu.memory_space<semaphore_mem>>) src(%dma_wait3A_636 : memref<32x128xf32, #tpu.memory_space<hbm>>) dst(%dma_wait3A_634 : memref<32x128xf32, #tpu.memory_space<vmem>>)
      %dma_wait3A_637 = arith.constant 8 : i32
      %dma_wait3A_638 = arith.constant 0 : i32
      %dma_wait3A_639 = arith.constant 0 : i32
      %dma_wait3A_640 = tpu.memref_slice %arg6[%dma_wait3A_637, %dma_wait3A_638, %dma_wait3A_639] : memref<16x32x128xf32, #tpu.memory_space<vmem>> -> memref<1x32x128xf32, #tpu.memory_space<vmem>>
      %dma_wait3A_641 = tpu.memref_squeeze %dma_wait3A_640 : memref<1x32x128xf32, #tpu.memory_space<vmem>> -> memref<32x128xf32, #tpu.memory_space<vmem>>
      %dma_wait3A_642 = arith.constant 0 : i32
      %dma_wait3A_643 = tpu.memref_slice %arg3[%dma_wait3A_642, %multiple_of3A_295] : memref<32x1000000xf32, #tpu.memory_space<hbm>> -> memref<32x128xf32, #tpu.memory_space<hbm>>
      %dma_wait3A_644 = arith.constant 0 : i32
      %dma_wait3A_645 = arith.constant 0 : i32
      %dma_wait3A_646 = tpu.memref_slice %arg6[%dma_wait3A_637, %dma_wait3A_644, %dma_wait3A_645] : memref<16x32x128xf32, #tpu.memory_space<vmem>> -> memref<1x32x128xf32, #tpu.memory_space<vmem>>
      %dma_wait3A_647 = tpu.memref_squeeze %dma_wait3A_646 : memref<1x32x128xf32, #tpu.memory_space<vmem>> -> memref<32x128xf32, #tpu.memory_space<vmem>>
      %dma_wait3A_648 = arith.constant 0 : i32
      %dma_wait3A_649 = tpu.memref_slice %arg3[%dma_wait3A_648, %multiple_of3A_295] : memref<32x1000000xf32, #tpu.memory_space<hbm>> -> memref<32x128xf32, #tpu.memory_space<hbm>>
      tpu.wait_dma2 semaphore(%arg9 : memref<!tpu.dma_semaphore, #tpu.memory_space<semaphore_mem>>) src(%dma_wait3A_649 : memref<32x128xf32, #tpu.memory_space<hbm>>) dst(%dma_wait3A_647 : memref<32x128xf32, #tpu.memory_space<vmem>>)
      %dma_wait3A_650 = arith.constant 9 : i32
      %dma_wait3A_651 = arith.constant 0 : i32
      %dma_wait3A_652 = arith.constant 0 : i32
      %dma_wait3A_653 = tpu.memref_slice %arg6[%dma_wait3A_650, %dma_wait3A_651, %dma_wait3A_652] : memref<16x32x128xf32, #tpu.memory_space<vmem>> -> memref<1x32x128xf32, #tpu.memory_space<vmem>>
      %dma_wait3A_654 = tpu.memref_squeeze %dma_wait3A_653 : memref<1x32x128xf32, #tpu.memory_space<vmem>> -> memref<32x128xf32, #tpu.memory_space<vmem>>
      %dma_wait3A_655 = arith.constant 0 : i32
      %dma_wait3A_656 = tpu.memref_slice %arg3[%dma_wait3A_655, %multiple_of3A_327] : memref<32x1000000xf32, #tpu.memory_space<hbm>> -> memref<32x128xf32, #tpu.memory_space<hbm>>
      %dma_wait3A_657 = arith.constant 0 : i32
      %dma_wait3A_658 = arith.constant 0 : i32
      %dma_wait3A_659 = tpu.memref_slice %arg6[%dma_wait3A_650, %dma_wait3A_657, %dma_wait3A_658] : memref<16x32x128xf32, #tpu.memory_space<vmem>> -> memref<1x32x128xf32, #tpu.memory_space<vmem>>
      %dma_wait3A_660 = tpu.memref_squeeze %dma_wait3A_659 : memref<1x32x128xf32, #tpu.memory_space<vmem>> -> memref<32x128xf32, #tpu.memory_space<vmem>>
      %dma_wait3A_661 = arith.constant 0 : i32
      %dma_wait3A_662 = tpu.memref_slice %arg3[%dma_wait3A_661, %multiple_of3A_327] : memref<32x1000000xf32, #tpu.memory_space<hbm>> -> memref<32x128xf32, #tpu.memory_space<hbm>>
      tpu.wait_dma2 semaphore(%arg9 : memref<!tpu.dma_semaphore, #tpu.memory_space<semaphore_mem>>) src(%dma_wait3A_662 : memref<32x128xf32, #tpu.memory_space<hbm>>) dst(%dma_wait3A_660 : memref<32x128xf32, #tpu.memory_space<vmem>>)
      %dma_wait3A_663 = arith.constant 10 : i32
      %dma_wait3A_664 = arith.constant 0 : i32
      %dma_wait3A_665 = arith.constant 0 : i32
      %dma_wait3A_666 = tpu.memref_slice %arg6[%dma_wait3A_663, %dma_wait3A_664, %dma_wait3A_665] : memref<16x32x128xf32, #tpu.memory_space<vmem>> -> memref<1x32x128xf32, #tpu.memory_space<vmem>>
      %dma_wait3A_667 = tpu.memref_squeeze %dma_wait3A_666 : memref<1x32x128xf32, #tpu.memory_space<vmem>> -> memref<32x128xf32, #tpu.memory_space<vmem>>
      %dma_wait3A_668 = arith.constant 0 : i32
      %dma_wait3A_669 = tpu.memref_slice %arg3[%dma_wait3A_668, %multiple_of3A_359] : memref<32x1000000xf32, #tpu.memory_space<hbm>> -> memref<32x128xf32, #tpu.memory_space<hbm>>
      %dma_wait3A_670 = arith.constant 0 : i32
      %dma_wait3A_671 = arith.constant 0 : i32
      %dma_wait3A_672 = tpu.memref_slice %arg6[%dma_wait3A_663, %dma_wait3A_670, %dma_wait3A_671] : memref<16x32x128xf32, #tpu.memory_space<vmem>> -> memref<1x32x128xf32, #tpu.memory_space<vmem>>
      %dma_wait3A_673 = tpu.memref_squeeze %dma_wait3A_672 : memref<1x32x128xf32, #tpu.memory_space<vmem>> -> memref<32x128xf32, #tpu.memory_space<vmem>>
      %dma_wait3A_674 = arith.constant 0 : i32
      %dma_wait3A_675 = tpu.memref_slice %arg3[%dma_wait3A_674, %multiple_of3A_359] : memref<32x1000000xf32, #tpu.memory_space<hbm>> -> memref<32x128xf32, #tpu.memory_space<hbm>>
      tpu.wait_dma2 semaphore(%arg9 : memref<!tpu.dma_semaphore, #tpu.memory_space<semaphore_mem>>) src(%dma_wait3A_675 : memref<32x128xf32, #tpu.memory_space<hbm>>) dst(%dma_wait3A_673 : memref<32x128xf32, #tpu.memory_space<vmem>>)
      %dma_wait3A_676 = arith.constant 11 : i32
      %dma_wait3A_677 = arith.constant 0 : i32
      %dma_wait3A_678 = arith.constant 0 : i32
      %dma_wait3A_679 = tpu.memref_slice %arg6[%dma_wait3A_676, %dma_wait3A_677, %dma_wait3A_678] : memref<16x32x128xf32, #tpu.memory_space<vmem>> -> memref<1x32x128xf32, #tpu.memory_space<vmem>>
      %dma_wait3A_680 = tpu.memref_squeeze %dma_wait3A_679 : memref<1x32x128xf32, #tpu.memory_space<vmem>> -> memref<32x128xf32, #tpu.memory_space<vmem>>
      %dma_wait3A_681 = arith.constant 0 : i32
      %dma_wait3A_682 = tpu.memref_slice %arg3[%dma_wait3A_681, %multiple_of3A_391] : memref<32x1000000xf32, #tpu.memory_space<hbm>> -> memref<32x128xf32, #tpu.memory_space<hbm>>
      %dma_wait3A_683 = arith.constant 0 : i32
      %dma_wait3A_684 = arith.constant 0 : i32
      %dma_wait3A_685 = tpu.memref_slice %arg6[%dma_wait3A_676, %dma_wait3A_683, %dma_wait3A_684] : memref<16x32x128xf32, #tpu.memory_space<vmem>> -> memref<1x32x128xf32, #tpu.memory_space<vmem>>
      %dma_wait3A_686 = tpu.memref_squeeze %dma_wait3A_685 : memref<1x32x128xf32, #tpu.memory_space<vmem>> -> memref<32x128xf32, #tpu.memory_space<vmem>>
      %dma_wait3A_687 = arith.constant 0 : i32
      %dma_wait3A_688 = tpu.memref_slice %arg3[%dma_wait3A_687, %multiple_of3A_391] : memref<32x1000000xf32, #tpu.memory_space<hbm>> -> memref<32x128xf32, #tpu.memory_space<hbm>>
      tpu.wait_dma2 semaphore(%arg9 : memref<!tpu.dma_semaphore, #tpu.memory_space<semaphore_mem>>) src(%dma_wait3A_688 : memref<32x128xf32, #tpu.memory_space<hbm>>) dst(%dma_wait3A_686 : memref<32x128xf32, #tpu.memory_space<vmem>>)
      %dma_wait3A_689 = arith.constant 12 : i32
      %dma_wait3A_690 = arith.constant 0 : i32
      %dma_wait3A_691 = arith.constant 0 : i32
      %dma_wait3A_692 = tpu.memref_slice %arg6[%dma_wait3A_689, %dma_wait3A_690, %dma_wait3A_691] : memref<16x32x128xf32, #tpu.memory_space<vmem>> -> memref<1x32x128xf32, #tpu.memory_space<vmem>>
      %dma_wait3A_693 = tpu.memref_squeeze %dma_wait3A_692 : memref<1x32x128xf32, #tpu.memory_space<vmem>> -> memref<32x128xf32, #tpu.memory_space<vmem>>
      %dma_wait3A_694 = arith.constant 0 : i32
      %dma_wait3A_695 = tpu.memref_slice %arg3[%dma_wait3A_694, %multiple_of3A_423] : memref<32x1000000xf32, #tpu.memory_space<hbm>> -> memref<32x128xf32, #tpu.memory_space<hbm>>
      %dma_wait3A_696 = arith.constant 0 : i32
      %dma_wait3A_697 = arith.constant 0 : i32
      %dma_wait3A_698 = tpu.memref_slice %arg6[%dma_wait3A_689, %dma_wait3A_696, %dma_wait3A_697] : memref<16x32x128xf32, #tpu.memory_space<vmem>> -> memref<1x32x128xf32, #tpu.memory_space<vmem>>
      %dma_wait3A_699 = tpu.memref_squeeze %dma_wait3A_698 : memref<1x32x128xf32, #tpu.memory_space<vmem>> -> memref<32x128xf32, #tpu.memory_space<vmem>>
      %dma_wait3A_700 = arith.constant 0 : i32
      %dma_wait3A_701 = tpu.memref_slice %arg3[%dma_wait3A_700, %multiple_of3A_423] : memref<32x1000000xf32, #tpu.memory_space<hbm>> -> memref<32x128xf32, #tpu.memory_space<hbm>>
      tpu.wait_dma2 semaphore(%arg9 : memref<!tpu.dma_semaphore, #tpu.memory_space<semaphore_mem>>) src(%dma_wait3A_701 : memref<32x128xf32, #tpu.memory_space<hbm>>) dst(%dma_wait3A_699 : memref<32x128xf32, #tpu.memory_space<vmem>>)
      %dma_wait3A_702 = arith.constant 13 : i32
      %dma_wait3A_703 = arith.constant 0 : i32
      %dma_wait3A_704 = arith.constant 0 : i32
      %dma_wait3A_705 = tpu.memref_slice %arg6[%dma_wait3A_702, %dma_wait3A_703, %dma_wait3A_704] : memref<16x32x128xf32, #tpu.memory_space<vmem>> -> memref<1x32x128xf32, #tpu.memory_space<vmem>>
      %dma_wait3A_706 = tpu.memref_squeeze %dma_wait3A_705 : memref<1x32x128xf32, #tpu.memory_space<vmem>> -> memref<32x128xf32, #tpu.memory_space<vmem>>
      %dma_wait3A_707 = arith.constant 0 : i32
      %dma_wait3A_708 = tpu.memref_slice %arg3[%dma_wait3A_707, %multiple_of3A_455] : memref<32x1000000xf32, #tpu.memory_space<hbm>> -> memref<32x128xf32, #tpu.memory_space<hbm>>
      %dma_wait3A_709 = arith.constant 0 : i32
      %dma_wait3A_710 = arith.constant 0 : i32
      %dma_wait3A_711 = tpu.memref_slice %arg6[%dma_wait3A_702, %dma_wait3A_709, %dma_wait3A_710] : memref<16x32x128xf32, #tpu.memory_space<vmem>> -> memref<1x32x128xf32, #tpu.memory_space<vmem>>
      %dma_wait3A_712 = tpu.memref_squeeze %dma_wait3A_711 : memref<1x32x128xf32, #tpu.memory_space<vmem>> -> memref<32x128xf32, #tpu.memory_space<vmem>>
      %dma_wait3A_713 = arith.constant 0 : i32
      %dma_wait3A_714 = tpu.memref_slice %arg3[%dma_wait3A_713, %multiple_of3A_455] : memref<32x1000000xf32, #tpu.memory_space<hbm>> -> memref<32x128xf32, #tpu.memory_space<hbm>>
      tpu.wait_dma2 semaphore(%arg9 : memref<!tpu.dma_semaphore, #tpu.memory_space<semaphore_mem>>) src(%dma_wait3A_714 : memref<32x128xf32, #tpu.memory_space<hbm>>) dst(%dma_wait3A_712 : memref<32x128xf32, #tpu.memory_space<vmem>>)
      %dma_wait3A_715 = arith.constant 14 : i32
      %dma_wait3A_716 = arith.constant 0 : i32
      %dma_wait3A_717 = arith.constant 0 : i32
      %dma_wait3A_718 = tpu.memref_slice %arg6[%dma_wait3A_715, %dma_wait3A_716, %dma_wait3A_717] : memref<16x32x128xf32, #tpu.memory_space<vmem>> -> memref<1x32x128xf32, #tpu.memory_space<vmem>>
      %dma_wait3A_719 = tpu.memref_squeeze %dma_wait3A_718 : memref<1x32x128xf32, #tpu.memory_space<vmem>> -> memref<32x128xf32, #tpu.memory_space<vmem>>
      %dma_wait3A_720 = arith.constant 0 : i32
      %dma_wait3A_721 = tpu.memref_slice %arg3[%dma_wait3A_720, %multiple_of3A_487] : memref<32x1000000xf32, #tpu.memory_space<hbm>> -> memref<32x128xf32, #tpu.memory_space<hbm>>
      %dma_wait3A_722 = arith.constant 0 : i32
      %dma_wait3A_723 = arith.constant 0 : i32
      %dma_wait3A_724 = tpu.memref_slice %arg6[%dma_wait3A_715, %dma_wait3A_722, %dma_wait3A_723] : memref<16x32x128xf32, #tpu.memory_space<vmem>> -> memref<1x32x128xf32, #tpu.memory_space<vmem>>
      %dma_wait3A_725 = tpu.memref_squeeze %dma_wait3A_724 : memref<1x32x128xf32, #tpu.memory_space<vmem>> -> memref<32x128xf32, #tpu.memory_space<vmem>>
      %dma_wait3A_726 = arith.constant 0 : i32
      %dma_wait3A_727 = tpu.memref_slice %arg3[%dma_wait3A_726, %multiple_of3A_487] : memref<32x1000000xf32, #tpu.memory_space<hbm>> -> memref<32x128xf32, #tpu.memory_space<hbm>>
      tpu.wait_dma2 semaphore(%arg9 : memref<!tpu.dma_semaphore, #tpu.memory_space<semaphore_mem>>) src(%dma_wait3A_727 : memref<32x128xf32, #tpu.memory_space<hbm>>) dst(%dma_wait3A_725 : memref<32x128xf32, #tpu.memory_space<vmem>>)
      %dma_wait3A_728 = arith.constant 15 : i32
      %dma_wait3A_729 = arith.constant 0 : i32
      %dma_wait3A_730 = arith.constant 0 : i32
      %dma_wait3A_731 = tpu.memref_slice %arg6[%dma_wait3A_728, %dma_wait3A_729, %dma_wait3A_730] : memref<16x32x128xf32, #tpu.memory_space<vmem>> -> memref<1x32x128xf32, #tpu.memory_space<vmem>>
      %dma_wait3A_732 = tpu.memref_squeeze %dma_wait3A_731 : memref<1x32x128xf32, #tpu.memory_space<vmem>> -> memref<32x128xf32, #tpu.memory_space<vmem>>
      %dma_wait3A_733 = arith.constant 0 : i32
      %dma_wait3A_734 = tpu.memref_slice %arg3[%dma_wait3A_733, %multiple_of3A_519] : memref<32x1000000xf32, #tpu.memory_space<hbm>> -> memref<32x128xf32, #tpu.memory_space<hbm>>
      %dma_wait3A_735 = arith.constant 0 : i32
      %dma_wait3A_736 = arith.constant 0 : i32
      %dma_wait3A_737 = tpu.memref_slice %arg6[%dma_wait3A_728, %dma_wait3A_735, %dma_wait3A_736] : memref<16x32x128xf32, #tpu.memory_space<vmem>> -> memref<1x32x128xf32, #tpu.memory_space<vmem>>
      %dma_wait3A_738 = tpu.memref_squeeze %dma_wait3A_737 : memref<1x32x128xf32, #tpu.memory_space<vmem>> -> memref<32x128xf32, #tpu.memory_space<vmem>>
      %dma_wait3A_739 = arith.constant 0 : i32
      %dma_wait3A_740 = tpu.memref_slice %arg3[%dma_wait3A_739, %multiple_of3A_519] : memref<32x1000000xf32, #tpu.memory_space<hbm>> -> memref<32x128xf32, #tpu.memory_space<hbm>>
      tpu.wait_dma2 semaphore(%arg9 : memref<!tpu.dma_semaphore, #tpu.memory_space<semaphore_mem>>) src(%dma_wait3A_740 : memref<32x128xf32, #tpu.memory_space<hbm>>) dst(%dma_wait3A_738 : memref<32x128xf32, #tpu.memory_space<vmem>>)
      %and3A = arith.constant 127 : i32
      %and3A_741 = vector.broadcast %and3A : i32 to vector<16xi32>
      %and3A_742 = arith.andi %select_n3A, %and3A_741 : vector<16xi32>
      %sub3A = arith.constant 999680 : i32
      %sub3A_743 = vector.broadcast %sub3A : i32 to vector<16xi32>
      %sub3A_744 = arith.subi %get3A_23, %sub3A_743 : vector<16xi32>
      %max3A = arith.constant 0 : i32
      %max3A_745 = vector.broadcast %max3A : i32 to vector<16xi32>
      %max3A_746 = arith.maxsi %sub3A_744, %max3A_745 : vector<16xi32>
      %broadcast_in_dim3A_747 = arith.constant 0 : i32
      %broadcast_in_dim3A_748 = vector.broadcast %broadcast_in_dim3A_747 : i32 to vector<16xi32>
      %gather3A = tpu.vector_load_idx %arg6[%iota3A, %broadcast_in_dim3A_748, %and3A_742] : memref<16x32x128xf32, #tpu.memory_space<vmem>>[vector<16xi32>, vector<16xi32>, vector<16xi32>], vector<16xf32>,
      %gather3A_749 = tpu.vector_load_idx %arg8[%broadcast_in_dim3A_748, %max3A_746] masked %ge3A_25 : memref<32x320xf32, #tpu.memory_space<vmem>>[vector<16xi32>, vector<16xi32>], vector<16xf32>, vector<16xi1>
      %select_n3A_750 = arith.select %ge3A_25, %gather3A_749, %gather3A : vector<16xi1>, vector<16xf32>
      %mul3A_751 = arith.constant 16 : i32
      %mul3A_752 = arith.muli %scan3A_19, %mul3A_751 : i32
      %swap3A = arith.constant 0 : i32
      %swap3A_753 = arith.index_cast %swap3A : i32 to index
      %swap3A_754 = arith.index_cast %mul3A_752 : i32 to index
      %swap3A_755 = tpu.vector_load %arg7[%swap3A_753, %swap3A_754] {strides = array<i32>} : memref<32x512xf32, #tpu.memory_space<vmem>>, vector<16xf32>,
      tpu.vector_store %arg7[%swap3A_753, %swap3A_754], %select_n3A_750 {strides = array<i32>} : memref<32x512xf32, #tpu.memory_space<vmem>>, vector<16xf32>,
      %broadcast_in_dim3A_756 = arith.constant 1 : i32
      %broadcast_in_dim3A_757 = vector.broadcast %broadcast_in_dim3A_756 : i32 to vector<16xi32>
      %gather3A_758 = tpu.vector_load_idx %arg6[%iota3A, %broadcast_in_dim3A_757, %and3A_742] : memref<16x32x128xf32, #tpu.memory_space<vmem>>[vector<16xi32>, vector<16xi32>, vector<16xi32>], vector<16xf32>,
      %gather3A_759 = tpu.vector_load_idx %arg8[%broadcast_in_dim3A_757, %max3A_746] masked %ge3A_25 : memref<32x320xf32, #tpu.memory_space<vmem>>[vector<16xi32>, vector<16xi32>], vector<16xf32>, vector<16xi1>
      %select_n3A_760 = arith.select %ge3A_25, %gather3A_759, %gather3A_758 : vector<16xi1>, vector<16xf32>
      %mul3A_761 = arith.constant 16 : i32
      %mul3A_762 = arith.muli %scan3A_19, %mul3A_761 : i32
      %swap3A_763 = arith.constant 1 : i32
      %swap3A_764 = arith.index_cast %swap3A_763 : i32 to index
      %swap3A_765 = arith.index_cast %mul3A_762 : i32 to index
      %swap3A_766 = tpu.vector_load %arg7[%swap3A_764, %swap3A_765] {strides = array<i32>} : memref<32x512xf32, #tpu.memory_space<vmem>>, vector<16xf32>,
      tpu.vector_store %arg7[%swap3A_764, %swap3A_765], %select_n3A_760 {strides = array<i32>} : memref<32x512xf32, #tpu.memory_space<vmem>>, vector<16xf32>,
      %broadcast_in_dim3A_767 = arith.constant 2 : i32
      %broadcast_in_dim3A_768 = vector.broadcast %broadcast_in_dim3A_767 : i32 to vector<16xi32>
      %gather3A_769 = tpu.vector_load_idx %arg6[%iota3A, %broadcast_in_dim3A_768, %and3A_742] : memref<16x32x128xf32, #tpu.memory_space<vmem>>[vector<16xi32>, vector<16xi32>, vector<16xi32>], vector<16xf32>,
      %gather3A_770 = tpu.vector_load_idx %arg8[%broadcast_in_dim3A_768, %max3A_746] masked %ge3A_25 : memref<32x320xf32, #tpu.memory_space<vmem>>[vector<16xi32>, vector<16xi32>], vector<16xf32>, vector<16xi1>
      %select_n3A_771 = arith.select %ge3A_25, %gather3A_770, %gather3A_769 : vector<16xi1>, vector<16xf32>
      %mul3A_772 = arith.constant 16 : i32
      %mul3A_773 = arith.muli %scan3A_19, %mul3A_772 : i32
      %swap3A_774 = arith.constant 2 : i32
      %swap3A_775 = arith.index_cast %swap3A_774 : i32 to index
      %swap3A_776 = arith.index_cast %mul3A_773 : i32 to index
      %swap3A_777 = tpu.vector_load %arg7[%swap3A_775, %swap3A_776] {strides = array<i32>} : memref<32x512xf32, #tpu.memory_space<vmem>>, vector<16xf32>,
      tpu.vector_store %arg7[%swap3A_775, %swap3A_776], %select_n3A_771 {strides = array<i32>} : memref<32x512xf32, #tpu.memory_space<vmem>>, vector<16xf32>,
      %broadcast_in_dim3A_778 = arith.constant 3 : i32
      %broadcast_in_dim3A_779 = vector.broadcast %broadcast_in_dim3A_778 : i32 to vector<16xi32>
      %gather3A_780 = tpu.vector_load_idx %arg6[%iota3A, %broadcast_in_dim3A_779, %and3A_742] : memref<16x32x128xf32, #tpu.memory_space<vmem>>[vector<16xi32>, vector<16xi32>, vector<16xi32>], vector<16xf32>,
      %gather3A_781 = tpu.vector_load_idx %arg8[%broadcast_in_dim3A_779, %max3A_746] masked %ge3A_25 : memref<32x320xf32, #tpu.memory_space<vmem>>[vector<16xi32>, vector<16xi32>], vector<16xf32>, vector<16xi1>
      %select_n3A_782 = arith.select %ge3A_25, %gather3A_781, %gather3A_780 : vector<16xi1>, vector<16xf32>
      %mul3A_783 = arith.constant 16 : i32
      %mul3A_784 = arith.muli %scan3A_19, %mul3A_783 : i32
      %swap3A_785 = arith.constant 3 : i32
      %swap3A_786 = arith.index_cast %swap3A_785 : i32 to index
      %swap3A_787 = arith.index_cast %mul3A_784 : i32 to index
      %swap3A_788 = tpu.vector_load %arg7[%swap3A_786, %swap3A_787] {strides = array<i32>} : memref<32x512xf32, #tpu.memory_space<vmem>>, vector<16xf32>,
      tpu.vector_store %arg7[%swap3A_786, %swap3A_787], %select_n3A_782 {strides = array<i32>} : memref<32x512xf32, #tpu.memory_space<vmem>>, vector<16xf32>,
      %broadcast_in_dim3A_789 = arith.constant 4 : i32
      %broadcast_in_dim3A_790 = vector.broadcast %broadcast_in_dim3A_789 : i32 to vector<16xi32>
      %gather3A_791 = tpu.vector_load_idx %arg6[%iota3A, %broadcast_in_dim3A_790, %and3A_742] : memref<16x32x128xf32, #tpu.memory_space<vmem>>[vector<16xi32>, vector<16xi32>, vector<16xi32>], vector<16xf32>,
      %gather3A_792 = tpu.vector_load_idx %arg8[%broadcast_in_dim3A_790, %max3A_746] masked %ge3A_25 : memref<32x320xf32, #tpu.memory_space<vmem>>[vector<16xi32>, vector<16xi32>], vector<16xf32>, vector<16xi1>
      %select_n3A_793 = arith.select %ge3A_25, %gather3A_792, %gather3A_791 : vector<16xi1>, vector<16xf32>
      %mul3A_794 = arith.constant 16 : i32
      %mul3A_795 = arith.muli %scan3A_19, %mul3A_794 : i32
      %swap3A_796 = arith.constant 4 : i32
      %swap3A_797 = arith.index_cast %swap3A_796 : i32 to index
      %swap3A_798 = arith.index_cast %mul3A_795 : i32 to index
      %swap3A_799 = tpu.vector_load %arg7[%swap3A_797, %swap3A_798] {strides = array<i32>} : memref<32x512xf32, #tpu.memory_space<vmem>>, vector<16xf32>,
      tpu.vector_store %arg7[%swap3A_797, %swap3A_798], %select_n3A_793 {strides = array<i32>} : memref<32x512xf32, #tpu.memory_space<vmem>>, vector<16xf32>,
      %broadcast_in_dim3A_800 = arith.constant 5 : i32
      %broadcast_in_dim3A_801 = vector.broadcast %broadcast_in_dim3A_800 : i32 to vector<16xi32>
      %gather3A_802 = tpu.vector_load_idx %arg6[%iota3A, %broadcast_in_dim3A_801, %and3A_742] : memref<16x32x128xf32, #tpu.memory_space<vmem>>[vector<16xi32>, vector<16xi32>, vector<16xi32>], vector<16xf32>,
      %gather3A_803 = tpu.vector_load_idx %arg8[%broadcast_in_dim3A_801, %max3A_746] masked %ge3A_25 : memref<32x320xf32, #tpu.memory_space<vmem>>[vector<16xi32>, vector<16xi32>], vector<16xf32>, vector<16xi1>
      %select_n3A_804 = arith.select %ge3A_25, %gather3A_803, %gather3A_802 : vector<16xi1>, vector<16xf32>
      %mul3A_805 = arith.constant 16 : i32
      %mul3A_806 = arith.muli %scan3A_19, %mul3A_805 : i32
      %swap3A_807 = arith.constant 5 : i32
      %swap3A_808 = arith.index_cast %swap3A_807 : i32 to index
      %swap3A_809 = arith.index_cast %mul3A_806 : i32 to index
      %swap3A_810 = tpu.vector_load %arg7[%swap3A_808, %swap3A_809] {strides = array<i32>} : memref<32x512xf32, #tpu.memory_space<vmem>>, vector<16xf32>,
      tpu.vector_store %arg7[%swap3A_808, %swap3A_809], %select_n3A_804 {strides = array<i32>} : memref<32x512xf32, #tpu.memory_space<vmem>>, vector<16xf32>,
      %broadcast_in_dim3A_811 = arith.constant 6 : i32
      %broadcast_in_dim3A_812 = vector.broadcast %broadcast_in_dim3A_811 : i32 to vector<16xi32>
      %gather3A_813 = tpu.vector_load_idx %arg6[%iota3A, %broadcast_in_dim3A_812, %and3A_742] : memref<16x32x128xf32, #tpu.memory_space<vmem>>[vector<16xi32>, vector<16xi32>, vector<16xi32>], vector<16xf32>,
      %gather3A_814 = tpu.vector_load_idx %arg8[%broadcast_in_dim3A_812, %max3A_746] masked %ge3A_25 : memref<32x320xf32, #tpu.memory_space<vmem>>[vector<16xi32>, vector<16xi32>], vector<16xf32>, vector<16xi1>
      %select_n3A_815 = arith.select %ge3A_25, %gather3A_814, %gather3A_813 : vector<16xi1>, vector<16xf32>
      %mul3A_816 = arith.constant 16 : i32
      %mul3A_817 = arith.muli %scan3A_19, %mul3A_816 : i32
      %swap3A_818 = arith.constant 6 : i32
      %swap3A_819 = arith.index_cast %swap3A_818 : i32 to index
      %swap3A_820 = arith.index_cast %mul3A_817 : i32 to index
      %swap3A_821 = tpu.vector_load %arg7[%swap3A_819, %swap3A_820] {strides = array<i32>} : memref<32x512xf32, #tpu.memory_space<vmem>>, vector<16xf32>,
      tpu.vector_store %arg7[%swap3A_819, %swap3A_820], %select_n3A_815 {strides = array<i32>} : memref<32x512xf32, #tpu.memory_space<vmem>>, vector<16xf32>,
      %broadcast_in_dim3A_822 = arith.constant 7 : i32
      %broadcast_in_dim3A_823 = vector.broadcast %broadcast_in_dim3A_822 : i32 to vector<16xi32>
      %gather3A_824 = tpu.vector_load_idx %arg6[%iota3A, %broadcast_in_dim3A_823, %and3A_742] : memref<16x32x128xf32, #tpu.memory_space<vmem>>[vector<16xi32>, vector<16xi32>, vector<16xi32>], vector<16xf32>,
      %gather3A_825 = tpu.vector_load_idx %arg8[%broadcast_in_dim3A_823, %max3A_746] masked %ge3A_25 : memref<32x320xf32, #tpu.memory_space<vmem>>[vector<16xi32>, vector<16xi32>], vector<16xf32>, vector<16xi1>
      %select_n3A_826 = arith.select %ge3A_25, %gather3A_825, %gather3A_824 : vector<16xi1>, vector<16xf32>
      %mul3A_827 = arith.constant 16 : i32
      %mul3A_828 = arith.muli %scan3A_19, %mul3A_827 : i32
      %swap3A_829 = arith.constant 7 : i32
      %swap3A_830 = arith.index_cast %swap3A_829 : i32 to index
      %swap3A_831 = arith.index_cast %mul3A_828 : i32 to index
      %swap3A_832 = tpu.vector_load %arg7[%swap3A_830, %swap3A_831] {strides = array<i32>} : memref<32x512xf32, #tpu.memory_space<vmem>>, vector<16xf32>,
      tpu.vector_store %arg7[%swap3A_830, %swap3A_831], %select_n3A_826 {strides = array<i32>} : memref<32x512xf32, #tpu.memory_space<vmem>>, vector<16xf32>,
      %broadcast_in_dim3A_833 = arith.constant 8 : i32
      %broadcast_in_dim3A_834 = vector.broadcast %broadcast_in_dim3A_833 : i32 to vector<16xi32>
      %gather3A_835 = tpu.vector_load_idx %arg6[%iota3A, %broadcast_in_dim3A_834, %and3A_742] : memref<16x32x128xf32, #tpu.memory_space<vmem>>[vector<16xi32>, vector<16xi32>, vector<16xi32>], vector<16xf32>,
      %gather3A_836 = tpu.vector_load_idx %arg8[%broadcast_in_dim3A_834, %max3A_746] masked %ge3A_25 : memref<32x320xf32, #tpu.memory_space<vmem>>[vector<16xi32>, vector<16xi32>], vector<16xf32>, vector<16xi1>
      %select_n3A_837 = arith.select %ge3A_25, %gather3A_836, %gather3A_835 : vector<16xi1>, vector<16xf32>
      %mul3A_838 = arith.constant 16 : i32
      %mul3A_839 = arith.muli %scan3A_19, %mul3A_838 : i32
      %swap3A_840 = arith.constant 8 : i32
      %swap3A_841 = arith.index_cast %swap3A_840 : i32 to index
      %swap3A_842 = arith.index_cast %mul3A_839 : i32 to index
      %swap3A_843 = tpu.vector_load %arg7[%swap3A_841, %swap3A_842] {strides = array<i32>} : memref<32x512xf32, #tpu.memory_space<vmem>>, vector<16xf32>,
      tpu.vector_store %arg7[%swap3A_841, %swap3A_842], %select_n3A_837 {strides = array<i32>} : memref<32x512xf32, #tpu.memory_space<vmem>>, vector<16xf32>,
      %broadcast_in_dim3A_844 = arith.constant 9 : i32
      %broadcast_in_dim3A_845 = vector.broadcast %broadcast_in_dim3A_844 : i32 to vector<16xi32>
      %gather3A_846 = tpu.vector_load_idx %arg6[%iota3A, %broadcast_in_dim3A_845, %and3A_742] : memref<16x32x128xf32, #tpu.memory_space<vmem>>[vector<16xi32>, vector<16xi32>, vector<16xi32>], vector<16xf32>,
      %gather3A_847 = tpu.vector_load_idx %arg8[%broadcast_in_dim3A_845, %max3A_746] masked %ge3A_25 : memref<32x320xf32, #tpu.memory_space<vmem>>[vector<16xi32>, vector<16xi32>], vector<16xf32>, vector<16xi1>
      %select_n3A_848 = arith.select %ge3A_25, %gather3A_847, %gather3A_846 : vector<16xi1>, vector<16xf32>
      %mul3A_849 = arith.constant 16 : i32
      %mul3A_850 = arith.muli %scan3A_19, %mul3A_849 : i32
      %swap3A_851 = arith.constant 9 : i32
      %swap3A_852 = arith.index_cast %swap3A_851 : i32 to index
      %swap3A_853 = arith.index_cast %mul3A_850 : i32 to index
      %swap3A_854 = tpu.vector_load %arg7[%swap3A_852, %swap3A_853] {strides = array<i32>} : memref<32x512xf32, #tpu.memory_space<vmem>>, vector<16xf32>,
      tpu.vector_store %arg7[%swap3A_852, %swap3A_853], %select_n3A_848 {strides = array<i32>} : memref<32x512xf32, #tpu.memory_space<vmem>>, vector<16xf32>,
      %broadcast_in_dim3A_855 = arith.constant 10 : i32
      %broadcast_in_dim3A_856 = vector.broadcast %broadcast_in_dim3A_855 : i32 to vector<16xi32>
      %gather3A_857 = tpu.vector_load_idx %arg6[%iota3A, %broadcast_in_dim3A_856, %and3A_742] : memref<16x32x128xf32, #tpu.memory_space<vmem>>[vector<16xi32>, vector<16xi32>, vector<16xi32>], vector<16xf32>,
      %gather3A_858 = tpu.vector_load_idx %arg8[%broadcast_in_dim3A_856, %max3A_746] masked %ge3A_25 : memref<32x320xf32, #tpu.memory_space<vmem>>[vector<16xi32>, vector<16xi32>], vector<16xf32>, vector<16xi1>
      %select_n3A_859 = arith.select %ge3A_25, %gather3A_858, %gather3A_857 : vector<16xi1>, vector<16xf32>
      %mul3A_860 = arith.constant 16 : i32
      %mul3A_861 = arith.muli %scan3A_19, %mul3A_860 : i32
      %swap3A_862 = arith.constant 10 : i32
      %swap3A_863 = arith.index_cast %swap3A_862 : i32 to index
      %swap3A_864 = arith.index_cast %mul3A_861 : i32 to index
      %swap3A_865 = tpu.vector_load %arg7[%swap3A_863, %swap3A_864] {strides = array<i32>} : memref<32x512xf32, #tpu.memory_space<vmem>>, vector<16xf32>,
      tpu.vector_store %arg7[%swap3A_863, %swap3A_864], %select_n3A_859 {strides = array<i32>} : memref<32x512xf32, #tpu.memory_space<vmem>>, vector<16xf32>,
      %broadcast_in_dim3A_866 = arith.constant 11 : i32
      %broadcast_in_dim3A_867 = vector.broadcast %broadcast_in_dim3A_866 : i32 to vector<16xi32>
      %gather3A_868 = tpu.vector_load_idx %arg6[%iota3A, %broadcast_in_dim3A_867, %and3A_742] : memref<16x32x128xf32, #tpu.memory_space<vmem>>[vector<16xi32>, vector<16xi32>, vector<16xi32>], vector<16xf32>,
      %gather3A_869 = tpu.vector_load_idx %arg8[%broadcast_in_dim3A_867, %max3A_746] masked %ge3A_25 : memref<32x320xf32, #tpu.memory_space<vmem>>[vector<16xi32>, vector<16xi32>], vector<16xf32>, vector<16xi1>
      %select_n3A_870 = arith.select %ge3A_25, %gather3A_869, %gather3A_868 : vector<16xi1>, vector<16xf32>
      %mul3A_871 = arith.constant 16 : i32
      %mul3A_872 = arith.muli %scan3A_19, %mul3A_871 : i32
      %swap3A_873 = arith.constant 11 : i32
      %swap3A_874 = arith.index_cast %swap3A_873 : i32 to index
      %swap3A_875 = arith.index_cast %mul3A_872 : i32 to index
      %swap3A_876 = tpu.vector_load %arg7[%swap3A_874, %swap3A_875] {strides = array<i32>} : memref<32x512xf32, #tpu.memory_space<vmem>>, vector<16xf32>,
      tpu.vector_store %arg7[%swap3A_874, %swap3A_875], %select_n3A_870 {strides = array<i32>} : memref<32x512xf32, #tpu.memory_space<vmem>>, vector<16xf32>,
      %broadcast_in_dim3A_877 = arith.constant 12 : i32
      %broadcast_in_dim3A_878 = vector.broadcast %broadcast_in_dim3A_877 : i32 to vector<16xi32>
      %gather3A_879 = tpu.vector_load_idx %arg6[%iota3A, %broadcast_in_dim3A_878, %and3A_742] : memref<16x32x128xf32, #tpu.memory_space<vmem>>[vector<16xi32>, vector<16xi32>, vector<16xi32>], vector<16xf32>,
      %gather3A_880 = tpu.vector_load_idx %arg8[%broadcast_in_dim3A_878, %max3A_746] masked %ge3A_25 : memref<32x320xf32, #tpu.memory_space<vmem>>[vector<16xi32>, vector<16xi32>], vector<16xf32>, vector<16xi1>
      %select_n3A_881 = arith.select %ge3A_25, %gather3A_880, %gather3A_879 : vector<16xi1>, vector<16xf32>
      %mul3A_882 = arith.constant 16 : i32
      %mul3A_883 = arith.muli %scan3A_19, %mul3A_882 : i32
      %swap3A_884 = arith.constant 12 : i32
      %swap3A_885 = arith.index_cast %swap3A_884 : i32 to index
      %swap3A_886 = arith.index_cast %mul3A_883 : i32 to index
      %swap3A_887 = tpu.vector_load %arg7[%swap3A_885, %swap3A_886] {strides = array<i32>} : memref<32x512xf32, #tpu.memory_space<vmem>>, vector<16xf32>,
      tpu.vector_store %arg7[%swap3A_885, %swap3A_886], %select_n3A_881 {strides = array<i32>} : memref<32x512xf32, #tpu.memory_space<vmem>>, vector<16xf32>,
      %broadcast_in_dim3A_888 = arith.constant 13 : i32
      %broadcast_in_dim3A_889 = vector.broadcast %broadcast_in_dim3A_888 : i32 to vector<16xi32>
      %gather3A_890 = tpu.vector_load_idx %arg6[%iota3A, %broadcast_in_dim3A_889, %and3A_742] : memref<16x32x128xf32, #tpu.memory_space<vmem>>[vector<16xi32>, vector<16xi32>, vector<16xi32>], vector<16xf32>,
      %gather3A_891 = tpu.vector_load_idx %arg8[%broadcast_in_dim3A_889, %max3A_746] masked %ge3A_25 : memref<32x320xf32, #tpu.memory_space<vmem>>[vector<16xi32>, vector<16xi32>], vector<16xf32>, vector<16xi1>
      %select_n3A_892 = arith.select %ge3A_25, %gather3A_891, %gather3A_890 : vector<16xi1>, vector<16xf32>
      %mul3A_893 = arith.constant 16 : i32
      %mul3A_894 = arith.muli %scan3A_19, %mul3A_893 : i32
      %swap3A_895 = arith.constant 13 : i32
      %swap3A_896 = arith.index_cast %swap3A_895 : i32 to index
      %swap3A_897 = arith.index_cast %mul3A_894 : i32 to index
      %swap3A_898 = tpu.vector_load %arg7[%swap3A_896, %swap3A_897] {strides = array<i32>} : memref<32x512xf32, #tpu.memory_space<vmem>>, vector<16xf32>,
      tpu.vector_store %arg7[%swap3A_896, %swap3A_897], %select_n3A_892 {strides = array<i32>} : memref<32x512xf32, #tpu.memory_space<vmem>>, vector<16xf32>,
      %broadcast_in_dim3A_899 = arith.constant 14 : i32
      %broadcast_in_dim3A_900 = vector.broadcast %broadcast_in_dim3A_899 : i32 to vector<16xi32>
      %gather3A_901 = tpu.vector_load_idx %arg6[%iota3A, %broadcast_in_dim3A_900, %and3A_742] : memref<16x32x128xf32, #tpu.memory_space<vmem>>[vector<16xi32>, vector<16xi32>, vector<16xi32>], vector<16xf32>,
      %gather3A_902 = tpu.vector_load_idx %arg8[%broadcast_in_dim3A_900, %max3A_746] masked %ge3A_25 : memref<32x320xf32, #tpu.memory_space<vmem>>[vector<16xi32>, vector<16xi32>], vector<16xf32>, vector<16xi1>
      %select_n3A_903 = arith.select %ge3A_25, %gather3A_902, %gather3A_901 : vector<16xi1>, vector<16xf32>
      %mul3A_904 = arith.constant 16 : i32
      %mul3A_905 = arith.muli %scan3A_19, %mul3A_904 : i32
      %swap3A_906 = arith.constant 14 : i32
      %swap3A_907 = arith.index_cast %swap3A_906 : i32 to index
      %swap3A_908 = arith.index_cast %mul3A_905 : i32 to index
      %swap3A_909 = tpu.vector_load %arg7[%swap3A_907, %swap3A_908] {strides = array<i32>} : memref<32x512xf32, #tpu.memory_space<vmem>>, vector<16xf32>,
      tpu.vector_store %arg7[%swap3A_907, %swap3A_908], %select_n3A_903 {strides = array<i32>} : memref<32x512xf32, #tpu.memory_space<vmem>>, vector<16xf32>,
      %broadcast_in_dim3A_910 = arith.constant 15 : i32
      %broadcast_in_dim3A_911 = vector.broadcast %broadcast_in_dim3A_910 : i32 to vector<16xi32>
      %gather3A_912 = tpu.vector_load_idx %arg6[%iota3A, %broadcast_in_dim3A_911, %and3A_742] : memref<16x32x128xf32, #tpu.memory_space<vmem>>[vector<16xi32>, vector<16xi32>, vector<16xi32>], vector<16xf32>,
      %gather3A_913 = tpu.vector_load_idx %arg8[%broadcast_in_dim3A_911, %max3A_746] masked %ge3A_25 : memref<32x320xf32, #tpu.memory_space<vmem>>[vector<16xi32>, vector<16xi32>], vector<16xf32>, vector<16xi1>
      %select_n3A_914 = arith.select %ge3A_25, %gather3A_913, %gather3A_912 : vector<16xi1>, vector<16xf32>
      %mul3A_915 = arith.constant 16 : i32
      %mul3A_916 = arith.muli %scan3A_19, %mul3A_915 : i32
      %swap3A_917 = arith.constant 15 : i32
      %swap3A_918 = arith.index_cast %swap3A_917 : i32 to index
      %swap3A_919 = arith.index_cast %mul3A_916 : i32 to index
      %swap3A_920 = tpu.vector_load %arg7[%swap3A_918, %swap3A_919] {strides = array<i32>} : memref<32x512xf32, #tpu.memory_space<vmem>>, vector<16xf32>,
      tpu.vector_store %arg7[%swap3A_918, %swap3A_919], %select_n3A_914 {strides = array<i32>} : memref<32x512xf32, #tpu.memory_space<vmem>>, vector<16xf32>,
      %broadcast_in_dim3A_921 = arith.constant 16 : i32
      %broadcast_in_dim3A_922 = vector.broadcast %broadcast_in_dim3A_921 : i32 to vector<16xi32>
      %gather3A_923 = tpu.vector_load_idx %arg6[%iota3A, %broadcast_in_dim3A_922, %and3A_742] : memref<16x32x128xf32, #tpu.memory_space<vmem>>[vector<16xi32>, vector<16xi32>, vector<16xi32>], vector<16xf32>,
      %gather3A_924 = tpu.vector_load_idx %arg8[%broadcast_in_dim3A_922, %max3A_746] masked %ge3A_25 : memref<32x320xf32, #tpu.memory_space<vmem>>[vector<16xi32>, vector<16xi32>], vector<16xf32>, vector<16xi1>
      %select_n3A_925 = arith.select %ge3A_25, %gather3A_924, %gather3A_923 : vector<16xi1>, vector<16xf32>
      %mul3A_926 = arith.constant 16 : i32
      %mul3A_927 = arith.muli %scan3A_19, %mul3A_926 : i32
      %swap3A_928 = arith.constant 16 : i32
      %swap3A_929 = arith.index_cast %swap3A_928 : i32 to index
      %swap3A_930 = arith.index_cast %mul3A_927 : i32 to index
      %swap3A_931 = tpu.vector_load %arg7[%swap3A_929, %swap3A_930] {strides = array<i32>} : memref<32x512xf32, #tpu.memory_space<vmem>>, vector<16xf32>,
      tpu.vector_store %arg7[%swap3A_929, %swap3A_930], %select_n3A_925 {strides = array<i32>} : memref<32x512xf32, #tpu.memory_space<vmem>>, vector<16xf32>,
      %broadcast_in_dim3A_932 = arith.constant 17 : i32
      %broadcast_in_dim3A_933 = vector.broadcast %broadcast_in_dim3A_932 : i32 to vector<16xi32>
      %gather3A_934 = tpu.vector_load_idx %arg6[%iota3A, %broadcast_in_dim3A_933, %and3A_742] : memref<16x32x128xf32, #tpu.memory_space<vmem>>[vector<16xi32>, vector<16xi32>, vector<16xi32>], vector<16xf32>,
      %gather3A_935 = tpu.vector_load_idx %arg8[%broadcast_in_dim3A_933, %max3A_746] masked %ge3A_25 : memref<32x320xf32, #tpu.memory_space<vmem>>[vector<16xi32>, vector<16xi32>], vector<16xf32>, vector<16xi1>
      %select_n3A_936 = arith.select %ge3A_25, %gather3A_935, %gather3A_934 : vector<16xi1>, vector<16xf32>
      %mul3A_937 = arith.constant 16 : i32
      %mul3A_938 = arith.muli %scan3A_19, %mul3A_937 : i32
      %swap3A_939 = arith.constant 17 : i32
      %swap3A_940 = arith.index_cast %swap3A_939 : i32 to index
      %swap3A_941 = arith.index_cast %mul3A_938 : i32 to index
      %swap3A_942 = tpu.vector_load %arg7[%swap3A_940, %swap3A_941] {strides = array<i32>} : memref<32x512xf32, #tpu.memory_space<vmem>>, vector<16xf32>,
      tpu.vector_store %arg7[%swap3A_940, %swap3A_941], %select_n3A_936 {strides = array<i32>} : memref<32x512xf32, #tpu.memory_space<vmem>>, vector<16xf32>,
      %broadcast_in_dim3A_943 = arith.constant 18 : i32
      %broadcast_in_dim3A_944 = vector.broadcast %broadcast_in_dim3A_943 : i32 to vector<16xi32>
      %gather3A_945 = tpu.vector_load_idx %arg6[%iota3A, %broadcast_in_dim3A_944, %and3A_742] : memref<16x32x128xf32, #tpu.memory_space<vmem>>[vector<16xi32>, vector<16xi32>, vector<16xi32>], vector<16xf32>,
      %gather3A_946 = tpu.vector_load_idx %arg8[%broadcast_in_dim3A_944, %max3A_746] masked %ge3A_25 : memref<32x320xf32, #tpu.memory_space<vmem>>[vector<16xi32>, vector<16xi32>], vector<16xf32>, vector<16xi1>
      %select_n3A_947 = arith.select %ge3A_25, %gather3A_946, %gather3A_945 : vector<16xi1>, vector<16xf32>
      %mul3A_948 = arith.constant 16 : i32
      %mul3A_949 = arith.muli %scan3A_19, %mul3A_948 : i32
      %swap3A_950 = arith.constant 18 : i32
      %swap3A_951 = arith.index_cast %swap3A_950 : i32 to index
      %swap3A_952 = arith.index_cast %mul3A_949 : i32 to index
      %swap3A_953 = tpu.vector_load %arg7[%swap3A_951, %swap3A_952] {strides = array<i32>} : memref<32x512xf32, #tpu.memory_space<vmem>>, vector<16xf32>,
      tpu.vector_store %arg7[%swap3A_951, %swap3A_952], %select_n3A_947 {strides = array<i32>} : memref<32x512xf32, #tpu.memory_space<vmem>>, vector<16xf32>,
      %broadcast_in_dim3A_954 = arith.constant 19 : i32
      %broadcast_in_dim3A_955 = vector.broadcast %broadcast_in_dim3A_954 : i32 to vector<16xi32>
      %gather3A_956 = tpu.vector_load_idx %arg6[%iota3A, %broadcast_in_dim3A_955, %and3A_742] : memref<16x32x128xf32, #tpu.memory_space<vmem>>[vector<16xi32>, vector<16xi32>, vector<16xi32>], vector<16xf32>,
      %gather3A_957 = tpu.vector_load_idx %arg8[%broadcast_in_dim3A_955, %max3A_746] masked %ge3A_25 : memref<32x320xf32, #tpu.memory_space<vmem>>[vector<16xi32>, vector<16xi32>], vector<16xf32>, vector<16xi1>
      %select_n3A_958 = arith.select %ge3A_25, %gather3A_957, %gather3A_956 : vector<16xi1>, vector<16xf32>
      %mul3A_959 = arith.constant 16 : i32
      %mul3A_960 = arith.muli %scan3A_19, %mul3A_959 : i32
      %swap3A_961 = arith.constant 19 : i32
      %swap3A_962 = arith.index_cast %swap3A_961 : i32 to index
      %swap3A_963 = arith.index_cast %mul3A_960 : i32 to index
      %swap3A_964 = tpu.vector_load %arg7[%swap3A_962, %swap3A_963] {strides = array<i32>} : memref<32x512xf32, #tpu.memory_space<vmem>>, vector<16xf32>,
      tpu.vector_store %arg7[%swap3A_962, %swap3A_963], %select_n3A_958 {strides = array<i32>} : memref<32x512xf32, #tpu.memory_space<vmem>>, vector<16xf32>,
      %broadcast_in_dim3A_965 = arith.constant 20 : i32
      %broadcast_in_dim3A_966 = vector.broadcast %broadcast_in_dim3A_965 : i32 to vector<16xi32>
      %gather3A_967 = tpu.vector_load_idx %arg6[%iota3A, %broadcast_in_dim3A_966, %and3A_742] : memref<16x32x128xf32, #tpu.memory_space<vmem>>[vector<16xi32>, vector<16xi32>, vector<16xi32>], vector<16xf32>,
      %gather3A_968 = tpu.vector_load_idx %arg8[%broadcast_in_dim3A_966, %max3A_746] masked %ge3A_25 : memref<32x320xf32, #tpu.memory_space<vmem>>[vector<16xi32>, vector<16xi32>], vector<16xf32>, vector<16xi1>
      %select_n3A_969 = arith.select %ge3A_25, %gather3A_968, %gather3A_967 : vector<16xi1>, vector<16xf32>
      %mul3A_970 = arith.constant 16 : i32
      %mul3A_971 = arith.muli %scan3A_19, %mul3A_970 : i32
      %swap3A_972 = arith.constant 20 : i32
      %swap3A_973 = arith.index_cast %swap3A_972 : i32 to index
      %swap3A_974 = arith.index_cast %mul3A_971 : i32 to index
      %swap3A_975 = tpu.vector_load %arg7[%swap3A_973, %swap3A_974] {strides = array<i32>} : memref<32x512xf32, #tpu.memory_space<vmem>>, vector<16xf32>,
      tpu.vector_store %arg7[%swap3A_973, %swap3A_974], %select_n3A_969 {strides = array<i32>} : memref<32x512xf32, #tpu.memory_space<vmem>>, vector<16xf32>,
      %broadcast_in_dim3A_976 = arith.constant 21 : i32
      %broadcast_in_dim3A_977 = vector.broadcast %broadcast_in_dim3A_976 : i32 to vector<16xi32>
      %gather3A_978 = tpu.vector_load_idx %arg6[%iota3A, %broadcast_in_dim3A_977, %and3A_742] : memref<16x32x128xf32, #tpu.memory_space<vmem>>[vector<16xi32>, vector<16xi32>, vector<16xi32>], vector<16xf32>,
      %gather3A_979 = tpu.vector_load_idx %arg8[%broadcast_in_dim3A_977, %max3A_746] masked %ge3A_25 : memref<32x320xf32, #tpu.memory_space<vmem>>[vector<16xi32>, vector<16xi32>], vector<16xf32>, vector<16xi1>
      %select_n3A_980 = arith.select %ge3A_25, %gather3A_979, %gather3A_978 : vector<16xi1>, vector<16xf32>
      %mul3A_981 = arith.constant 16 : i32
      %mul3A_982 = arith.muli %scan3A_19, %mul3A_981 : i32
      %swap3A_983 = arith.constant 21 : i32
      %swap3A_984 = arith.index_cast %swap3A_983 : i32 to index
      %swap3A_985 = arith.index_cast %mul3A_982 : i32 to index
      %swap3A_986 = tpu.vector_load %arg7[%swap3A_984, %swap3A_985] {strides = array<i32>} : memref<32x512xf32, #tpu.memory_space<vmem>>, vector<16xf32>,
      tpu.vector_store %arg7[%swap3A_984, %swap3A_985], %select_n3A_980 {strides = array<i32>} : memref<32x512xf32, #tpu.memory_space<vmem>>, vector<16xf32>,
      %broadcast_in_dim3A_987 = arith.constant 22 : i32
      %broadcast_in_dim3A_988 = vector.broadcast %broadcast_in_dim3A_987 : i32 to vector<16xi32>
      %gather3A_989 = tpu.vector_load_idx %arg6[%iota3A, %broadcast_in_dim3A_988, %and3A_742] : memref<16x32x128xf32, #tpu.memory_space<vmem>>[vector<16xi32>, vector<16xi32>, vector<16xi32>], vector<16xf32>,
      %gather3A_990 = tpu.vector_load_idx %arg8[%broadcast_in_dim3A_988, %max3A_746] masked %ge3A_25 : memref<32x320xf32, #tpu.memory_space<vmem>>[vector<16xi32>, vector<16xi32>], vector<16xf32>, vector<16xi1>
      %select_n3A_991 = arith.select %ge3A_25, %gather3A_990, %gather3A_989 : vector<16xi1>, vector<16xf32>
      %mul3A_992 = arith.constant 16 : i32
      %mul3A_993 = arith.muli %scan3A_19, %mul3A_992 : i32
      %swap3A_994 = arith.constant 22 : i32
      %swap3A_995 = arith.index_cast %swap3A_994 : i32 to index
      %swap3A_996 = arith.index_cast %mul3A_993 : i32 to index
      %swap3A_997 = tpu.vector_load %arg7[%swap3A_995, %swap3A_996] {strides = array<i32>} : memref<32x512xf32, #tpu.memory_space<vmem>>, vector<16xf32>,
      tpu.vector_store %arg7[%swap3A_995, %swap3A_996], %select_n3A_991 {strides = array<i32>} : memref<32x512xf32, #tpu.memory_space<vmem>>, vector<16xf32>,
      %broadcast_in_dim3A_998 = arith.constant 23 : i32
      %broadcast_in_dim3A_999 = vector.broadcast %broadcast_in_dim3A_998 : i32 to vector<16xi32>
      %gather3A_1000 = tpu.vector_load_idx %arg6[%iota3A, %broadcast_in_dim3A_999, %and3A_742] : memref<16x32x128xf32, #tpu.memory_space<vmem>>[vector<16xi32>, vector<16xi32>, vector<16xi32>], vector<16xf32>,
      %gather3A_1001 = tpu.vector_load_idx %arg8[%broadcast_in_dim3A_999, %max3A_746] masked %ge3A_25 : memref<32x320xf32, #tpu.memory_space<vmem>>[vector<16xi32>, vector<16xi32>], vector<16xf32>, vector<16xi1>
      %select_n3A_1002 = arith.select %ge3A_25, %gather3A_1001, %gather3A_1000 : vector<16xi1>, vector<16xf32>
      %mul3A_1003 = arith.constant 16 : i32
      %mul3A_1004 = arith.muli %scan3A_19, %mul3A_1003 : i32
      %swap3A_1005 = arith.constant 23 : i32
      %swap3A_1006 = arith.index_cast %swap3A_1005 : i32 to index
      %swap3A_1007 = arith.index_cast %mul3A_1004 : i32 to index
      %swap3A_1008 = tpu.vector_load %arg7[%swap3A_1006, %swap3A_1007] {strides = array<i32>} : memref<32x512xf32, #tpu.memory_space<vmem>>, vector<16xf32>,
      tpu.vector_store %arg7[%swap3A_1006, %swap3A_1007], %select_n3A_1002 {strides = array<i32>} : memref<32x512xf32, #tpu.memory_space<vmem>>, vector<16xf32>,
      %broadcast_in_dim3A_1009 = arith.constant 24 : i32
      %broadcast_in_dim3A_1010 = vector.broadcast %broadcast_in_dim3A_1009 : i32 to vector<16xi32>
      %gather3A_1011 = tpu.vector_load_idx %arg6[%iota3A, %broadcast_in_dim3A_1010, %and3A_742] : memref<16x32x128xf32, #tpu.memory_space<vmem>>[vector<16xi32>, vector<16xi32>, vector<16xi32>], vector<16xf32>,
      %gather3A_1012 = tpu.vector_load_idx %arg8[%broadcast_in_dim3A_1010, %max3A_746] masked %ge3A_25 : memref<32x320xf32, #tpu.memory_space<vmem>>[vector<16xi32>, vector<16xi32>], vector<16xf32>, vector<16xi1>
      %select_n3A_1013 = arith.select %ge3A_25, %gather3A_1012, %gather3A_1011 : vector<16xi1>, vector<16xf32>
      %mul3A_1014 = arith.constant 16 : i32
      %mul3A_1015 = arith.muli %scan3A_19, %mul3A_1014 : i32
      %swap3A_1016 = arith.constant 24 : i32
      %swap3A_1017 = arith.index_cast %swap3A_1016 : i32 to index
      %swap3A_1018 = arith.index_cast %mul3A_1015 : i32 to index
      %swap3A_1019 = tpu.vector_load %arg7[%swap3A_1017, %swap3A_1018] {strides = array<i32>} : memref<32x512xf32, #tpu.memory_space<vmem>>, vector<16xf32>,
      tpu.vector_store %arg7[%swap3A_1017, %swap3A_1018], %select_n3A_1013 {strides = array<i32>} : memref<32x512xf32, #tpu.memory_space<vmem>>, vector<16xf32>,
      %broadcast_in_dim3A_1020 = arith.constant 25 : i32
      %broadcast_in_dim3A_1021 = vector.broadcast %broadcast_in_dim3A_1020 : i32 to vector<16xi32>
      %gather3A_1022 = tpu.vector_load_idx %arg6[%iota3A, %broadcast_in_dim3A_1021, %and3A_742] : memref<16x32x128xf32, #tpu.memory_space<vmem>>[vector<16xi32>, vector<16xi32>, vector<16xi32>], vector<16xf32>,
      %gather3A_1023 = tpu.vector_load_idx %arg8[%broadcast_in_dim3A_1021, %max3A_746] masked %ge3A_25 : memref<32x320xf32, #tpu.memory_space<vmem>>[vector<16xi32>, vector<16xi32>], vector<16xf32>, vector<16xi1>
      %select_n3A_1024 = arith.select %ge3A_25, %gather3A_1023, %gather3A_1022 : vector<16xi1>, vector<16xf32>
      %mul3A_1025 = arith.constant 16 : i32
      %mul3A_1026 = arith.muli %scan3A_19, %mul3A_1025 : i32
      %swap3A_1027 = arith.constant 25 : i32
      %swap3A_1028 = arith.index_cast %swap3A_1027 : i32 to index
      %swap3A_1029 = arith.index_cast %mul3A_1026 : i32 to index
      %swap3A_1030 = tpu.vector_load %arg7[%swap3A_1028, %swap3A_1029] {strides = array<i32>} : memref<32x512xf32, #tpu.memory_space<vmem>>, vector<16xf32>,
      tpu.vector_store %arg7[%swap3A_1028, %swap3A_1029], %select_n3A_1024 {strides = array<i32>} : memref<32x512xf32, #tpu.memory_space<vmem>>, vector<16xf32>,
      %broadcast_in_dim3A_1031 = arith.constant 26 : i32
      %broadcast_in_dim3A_1032 = vector.broadcast %broadcast_in_dim3A_1031 : i32 to vector<16xi32>
      %gather3A_1033 = tpu.vector_load_idx %arg6[%iota3A, %broadcast_in_dim3A_1032, %and3A_742] : memref<16x32x128xf32, #tpu.memory_space<vmem>>[vector<16xi32>, vector<16xi32>, vector<16xi32>], vector<16xf32>,
      %gather3A_1034 = tpu.vector_load_idx %arg8[%broadcast_in_dim3A_1032, %max3A_746] masked %ge3A_25 : memref<32x320xf32, #tpu.memory_space<vmem>>[vector<16xi32>, vector<16xi32>], vector<16xf32>, vector<16xi1>
      %select_n3A_1035 = arith.select %ge3A_25, %gather3A_1034, %gather3A_1033 : vector<16xi1>, vector<16xf32>
      %mul3A_1036 = arith.constant 16 : i32
      %mul3A_1037 = arith.muli %scan3A_19, %mul3A_1036 : i32
      %swap3A_1038 = arith.constant 26 : i32
      %swap3A_1039 = arith.index_cast %swap3A_1038 : i32 to index
      %swap3A_1040 = arith.index_cast %mul3A_1037 : i32 to index
      %swap3A_1041 = tpu.vector_load %arg7[%swap3A_1039, %swap3A_1040] {strides = array<i32>} : memref<32x512xf32, #tpu.memory_space<vmem>>, vector<16xf32>,
      tpu.vector_store %arg7[%swap3A_1039, %swap3A_1040], %select_n3A_1035 {strides = array<i32>} : memref<32x512xf32, #tpu.memory_space<vmem>>, vector<16xf32>,
      %broadcast_in_dim3A_1042 = arith.constant 27 : i32
      %broadcast_in_dim3A_1043 = vector.broadcast %broadcast_in_dim3A_1042 : i32 to vector<16xi32>
      %gather3A_1044 = tpu.vector_load_idx %arg6[%iota3A, %broadcast_in_dim3A_1043, %and3A_742] : memref<16x32x128xf32, #tpu.memory_space<vmem>>[vector<16xi32>, vector<16xi32>, vector<16xi32>], vector<16xf32>,
      %gather3A_1045 = tpu.vector_load_idx %arg8[%broadcast_in_dim3A_1043, %max3A_746] masked %ge3A_25 : memref<32x320xf32, #tpu.memory_space<vmem>>[vector<16xi32>, vector<16xi32>], vector<16xf32>, vector<16xi1>
      %select_n3A_1046 = arith.select %ge3A_25, %gather3A_1045, %gather3A_1044 : vector<16xi1>, vector<16xf32>
      %mul3A_1047 = arith.constant 16 : i32
      %mul3A_1048 = arith.muli %scan3A_19, %mul3A_1047 : i32
      %swap3A_1049 = arith.constant 27 : i32
      %swap3A_1050 = arith.index_cast %swap3A_1049 : i32 to index
      %swap3A_1051 = arith.index_cast %mul3A_1048 : i32 to index
      %swap3A_1052 = tpu.vector_load %arg7[%swap3A_1050, %swap3A_1051] {strides = array<i32>} : memref<32x512xf32, #tpu.memory_space<vmem>>, vector<16xf32>,
      tpu.vector_store %arg7[%swap3A_1050, %swap3A_1051], %select_n3A_1046 {strides = array<i32>} : memref<32x512xf32, #tpu.memory_space<vmem>>, vector<16xf32>,
      %broadcast_in_dim3A_1053 = arith.constant 28 : i32
      %broadcast_in_dim3A_1054 = vector.broadcast %broadcast_in_dim3A_1053 : i32 to vector<16xi32>
      %gather3A_1055 = tpu.vector_load_idx %arg6[%iota3A, %broadcast_in_dim3A_1054, %and3A_742] : memref<16x32x128xf32, #tpu.memory_space<vmem>>[vector<16xi32>, vector<16xi32>, vector<16xi32>], vector<16xf32>,
      %gather3A_1056 = tpu.vector_load_idx %arg8[%broadcast_in_dim3A_1054, %max3A_746] masked %ge3A_25 : memref<32x320xf32, #tpu.memory_space<vmem>>[vector<16xi32>, vector<16xi32>], vector<16xf32>, vector<16xi1>
      %select_n3A_1057 = arith.select %ge3A_25, %gather3A_1056, %gather3A_1055 : vector<16xi1>, vector<16xf32>
      %mul3A_1058 = arith.constant 16 : i32
      %mul3A_1059 = arith.muli %scan3A_19, %mul3A_1058 : i32
      %swap3A_1060 = arith.constant 28 : i32
      %swap3A_1061 = arith.index_cast %swap3A_1060 : i32 to index
      %swap3A_1062 = arith.index_cast %mul3A_1059 : i32 to index
      %swap3A_1063 = tpu.vector_load %arg7[%swap3A_1061, %swap3A_1062] {strides = array<i32>} : memref<32x512xf32, #tpu.memory_space<vmem>>, vector<16xf32>,
      tpu.vector_store %arg7[%swap3A_1061, %swap3A_1062], %select_n3A_1057 {strides = array<i32>} : memref<32x512xf32, #tpu.memory_space<vmem>>, vector<16xf32>,
      %broadcast_in_dim3A_1064 = arith.constant 29 : i32
      %broadcast_in_dim3A_1065 = vector.broadcast %broadcast_in_dim3A_1064 : i32 to vector<16xi32>
      %gather3A_1066 = tpu.vector_load_idx %arg6[%iota3A, %broadcast_in_dim3A_1065, %and3A_742] : memref<16x32x128xf32, #tpu.memory_space<vmem>>[vector<16xi32>, vector<16xi32>, vector<16xi32>], vector<16xf32>,
      %gather3A_1067 = tpu.vector_load_idx %arg8[%broadcast_in_dim3A_1065, %max3A_746] masked %ge3A_25 : memref<32x320xf32, #tpu.memory_space<vmem>>[vector<16xi32>, vector<16xi32>], vector<16xf32>, vector<16xi1>
      %select_n3A_1068 = arith.select %ge3A_25, %gather3A_1067, %gather3A_1066 : vector<16xi1>, vector<16xf32>
      %mul3A_1069 = arith.constant 16 : i32
      %mul3A_1070 = arith.muli %scan3A_19, %mul3A_1069 : i32
      %swap3A_1071 = arith.constant 29 : i32
      %swap3A_1072 = arith.index_cast %swap3A_1071 : i32 to index
      %swap3A_1073 = arith.index_cast %mul3A_1070 : i32 to index
      %swap3A_1074 = tpu.vector_load %arg7[%swap3A_1072, %swap3A_1073] {strides = array<i32>} : memref<32x512xf32, #tpu.memory_space<vmem>>, vector<16xf32>,
      tpu.vector_store %arg7[%swap3A_1072, %swap3A_1073], %select_n3A_1068 {strides = array<i32>} : memref<32x512xf32, #tpu.memory_space<vmem>>, vector<16xf32>,
      %broadcast_in_dim3A_1075 = arith.constant 30 : i32
      %broadcast_in_dim3A_1076 = vector.broadcast %broadcast_in_dim3A_1075 : i32 to vector<16xi32>
      %gather3A_1077 = tpu.vector_load_idx %arg6[%iota3A, %broadcast_in_dim3A_1076, %and3A_742] : memref<16x32x128xf32, #tpu.memory_space<vmem>>[vector<16xi32>, vector<16xi32>, vector<16xi32>], vector<16xf32>,
      %gather3A_1078 = tpu.vector_load_idx %arg8[%broadcast_in_dim3A_1076, %max3A_746] masked %ge3A_25 : memref<32x320xf32, #tpu.memory_space<vmem>>[vector<16xi32>, vector<16xi32>], vector<16xf32>, vector<16xi1>
      %select_n3A_1079 = arith.select %ge3A_25, %gather3A_1078, %gather3A_1077 : vector<16xi1>, vector<16xf32>
      %mul3A_1080 = arith.constant 16 : i32
      %mul3A_1081 = arith.muli %scan3A_19, %mul3A_1080 : i32
      %swap3A_1082 = arith.constant 30 : i32
      %swap3A_1083 = arith.index_cast %swap3A_1082 : i32 to index
      %swap3A_1084 = arith.index_cast %mul3A_1081 : i32 to index
      %swap3A_1085 = tpu.vector_load %arg7[%swap3A_1083, %swap3A_1084] {strides = array<i32>} : memref<32x512xf32, #tpu.memory_space<vmem>>, vector<16xf32>,
      tpu.vector_store %arg7[%swap3A_1083, %swap3A_1084], %select_n3A_1079 {strides = array<i32>} : memref<32x512xf32, #tpu.memory_space<vmem>>, vector<16xf32>,
      %broadcast_in_dim3A_1086 = arith.constant 31 : i32
      %broadcast_in_dim3A_1087 = vector.broadcast %broadcast_in_dim3A_1086 : i32 to vector<16xi32>
      %gather3A_1088 = tpu.vector_load_idx %arg6[%iota3A, %broadcast_in_dim3A_1087, %and3A_742] : memref<16x32x128xf32, #tpu.memory_space<vmem>>[vector<16xi32>, vector<16xi32>, vector<16xi32>], vector<16xf32>,
      %gather3A_1089 = tpu.vector_load_idx %arg8[%broadcast_in_dim3A_1087, %max3A_746] masked %ge3A_25 : memref<32x320xf32, #tpu.memory_space<vmem>>[vector<16xi32>, vector<16xi32>], vector<16xf32>, vector<16xi1>
      %select_n3A_1090 = arith.select %ge3A_25, %gather3A_1089, %gather3A_1088 : vector<16xi1>, vector<16xf32>
      %mul3A_1091 = arith.constant 16 : i32
      %mul3A_1092 = arith.muli %scan3A_19, %mul3A_1091 : i32
      %swap3A_1093 = arith.constant 31 : i32
      %swap3A_1094 = arith.index_cast %swap3A_1093 : i32 to index
      %swap3A_1095 = arith.index_cast %mul3A_1092 : i32 to index
      %swap3A_1096 = tpu.vector_load %arg7[%swap3A_1094, %swap3A_1095] {strides = array<i32>} : memref<32x512xf32, #tpu.memory_space<vmem>>, vector<16xf32>,
      tpu.vector_store %arg7[%swap3A_1094, %swap3A_1095], %select_n3A_1090 {strides = array<i32>} : memref<32x512xf32, #tpu.memory_space<vmem>>, vector<16xf32>,
      %scan3A_1097 = arith.constant 0 : i32
      scf.yield %scan3A_1097 : i32
    }
    %scan3A_18 = arith.constant 32 : i32
    "tpu.region"() ({
      %run_scoped3A = tpu.sem_alloc : memref<!tpu.dma_semaphore, #tpu.memory_space<semaphore_mem>>
      %dma_start3A_19 = arith.constant 0 : i32
      %dma_start3A_20 = tpu.memref_slice %arg4[%dma_start3A_19, %mul3A_2] : memref<32x16384xf32, #tpu.memory_space<hbm>> -> memref<32x512xf32, #tpu.memory_space<hbm>>
      %dma_start3A_21 = arith.constant 0 : i32
      %dma_start3A_22 = tpu.memref_slice %arg4[%dma_start3A_21, %mul3A_2] : memref<32x16384xf32, #tpu.memory_space<hbm>> -> memref<32x512xf32, #tpu.memory_space<hbm>>
      tpu.enqueue_dma source(%arg7 : memref<32x512xf32, #tpu.memory_space<vmem>>) target(%dma_start3A_22 : memref<32x512xf32, #tpu.memory_space<hbm>>) target_semaphore(%run_scoped3A : memref<!tpu.dma_semaphore, #tpu.memory_space<semaphore_mem>>)
      %dma_wait3A_23 = arith.constant 0 : i32
      %dma_wait3A_24 = tpu.memref_slice %arg4[%dma_wait3A_23, %mul3A_2] : memref<32x16384xf32, #tpu.memory_space<hbm>> -> memref<32x512xf32, #tpu.memory_space<hbm>>
      %dma_wait3A_25 = arith.constant 0 : i32
      %dma_wait3A_26 = tpu.memref_slice %arg4[%dma_wait3A_25, %mul3A_2] : memref<32x16384xf32, #tpu.memory_space<hbm>> -> memref<32x512xf32, #tpu.memory_space<hbm>>
      tpu.wait_dma2 semaphore(%run_scoped3A : memref<!tpu.dma_semaphore, #tpu.memory_space<semaphore_mem>>) src(%arg7 : memref<32x512xf32, #tpu.memory_space<vmem>>) dst(%dma_wait3A_26 : memref<32x512xf32, #tpu.memory_space<hbm>>)
      tpu.yield
    }) : () -> ()
    return
  }
}

</mosaic_0001>

<sc_bundles>
// kernel: kernel.3.cloned.1.call-start
scs
__scs_entry_jumppad:
0x0: {  	(pc) =	sbr.rel $0x88, $3  }
0x1: {  	(tag) =	ssettag $0x0;
	lr =	simm.s32 $0x1  }
0x2: {  	[smem:$0x3F9F] =	sst lr;
	_ =	strace $0xD0000000  }
0x3: {  	_ = 	snop  }
0x4: {  	_ = 	snop  }
0x5: {  	_ = 	snop  }
0x6: {  	_ = 	snop  }
0x7: {  	_ = 	snop  }
__scs_overlays_trampoline_lowered:
0x8: {  	[smem:$0x3FAE] =	sst s0  }
0x9: {  	[smem:$0x3FAF] =	sst s1  }
0xa: {  	[smem:$0x3FB0] =	sst s2  }
0xb: {  	[smem:$0x3FB1] =	sst s3  }
0xc: {  	[smem:$0x3FB2] =	sst s4  }
0xd: {  	[smem:$0x3FB3] =	sst s5  }
0xe: {  	[smem:$0x3FB4] =	sst s6  }
0xf: {  	[smem:$0x3FB5] =	sst s7  }
0x10: {  	[smem:$0x3FB6] =	sst s8  }
0x11: {  	[smem:$0x3FB7] =	sst s9;
	s0 =	simm.s32 @!p0 $0x0  }
0x12: {  	s1 =	sld [smem:$0x3F9D];
	s0 =	simm.s32 @p0 $0x1  }
0x13: {  	[smem:$0x3FB8] =	sst s0;
	s0 =	simm.s32 @!p1 $0x0  }
0x14: {  	s2 =	sld [smem:$0x3F9C];
	s0 =	simm.s32 @p1 $0x1  }
0x15: {  	[smem:$0x3FB9] =	sst s0;
	s0 =	simm.s32 @!p2 $0x0  }
0x16: {  	s3 =	sld [smem:$0x3FDB];
	s0 =	simm.s32 @p2 $0x1  }
0x17: {  	s4 =	simm.s32 $0x1BF5;
	[smem:$0x3FBB] =	sst s0  }
0x18: {  	s0 =	sld [smem:$0x3F9E];
	_ =	swait.ge [sflag:s4], $0x0  }
0x19: {  	s7 =	sld [smem:$0x3F9F]  }
0x1a: {  	s8 =	sadd.s32 $0xFFFFE003, lr  }
0x1b: {  	s9 =	sadd.s32 $0xFFFFFEF7, lr;
	s5 =	simm.s32 $0xFFFFFFFF;
	p2 =	slt.u32 s8, $0xFFFFF086  }
0x1c: {  	p1 =	slt.u32 s9, $0xF7A;
	s5 =	simm.s32 @!p2 $0x0  }
0x1d: {  	s5 =	simm.s32 @p1 $0x1;
	p0 =	seq.s32 s7, s2  }
0x1e: {  	s7 =	smul.u32 @!p0 $0xF7A, s2;
	p2 =	seq.s32 @!p0 s5, $0x0  }
0x1f: {  	s9 =	smul.u32 $0xF7A, s1;
	s8 =	simm.s32 @!p0 $0x1BF5;
	p2 =	por !p2, p0  }
0x20: {  	[sflag:s8] =	ssyncset.s32 @!p0 $0xFFFFF086;
	s6 =	sadd.s32 @!p0 s3, s7;
	s7 =	simm.s32 @!p0 $0x108  }
0x21: {  	s3 =	sadd.s32 s3, s9;
	s6 =	sadd.s32 @!p0 $0x88, s6;
	s7 =	simm.s32 @p2 $0x1082  }
0x22: {  	[simem:s7], [sflag:s8] =	dma.local @!p0 [hbm:s6], $0xF7A  }
0x23: {  	s9 =	sor.u32 $0xD0000000, s2;
	s6 =	simm.s32 $0x108;
	_ =	swait.ge @!p0 [sflag:s8], $0x0  }
0x24: {  	s3 =	sadd.s32 $0x88, s3;
	s6 =	simm.s32 @!p1 $0x1082;
	[sflag:s4] =	ssyncset.s32 $0xFFFFF086  }
0x25: {  	[simem:s6], [sflag:s4] =	dma.local [hbm:s3], $0xF7A  }
0x26: {  	[smem:$0x3F9F] =	sst s1;
	(tag) =	ssettag s2;
	_ =	strace s9  }
0x27: {  	s1 =	sld [smem:$0x3FAF]  }
0x28: {  	s2 =	sld [smem:$0x3FB0]  }
0x29: {  	s4 =	sld [smem:$0x3FB2]  }
0x2a: {  	p0 =	seq.s32 s5, $0x0;
	s5 =	sld [smem:$0x3FB3]  }
0x2b: {  	s6 =	sld [smem:$0x3FB4]  }
0x2c: {  	s7 =	sld [smem:$0x3FB5]  }
0x2d: {  	s3 =	simm.s32 $0x108;
	s8 =	sld [smem:$0x3FB6]  }
0x2e: {  	s3 =	simm.s32 @!p0 $0x1082;
	s9 =	sld [smem:$0x3FB7]  }
0x2f: {  	lr =	sadd.s32 s0, s3;
	s0 =	sld [smem:$0x3FAE]  }
0x30: {  	s3 =	sld [smem:$0x3FB1]  }
0x31: {  	[smem:$0x3FBA] =	sst s10  }
0x32: {  	s10 =	sld [smem:$0x3FB8];
	_ =	sdelay $0x3  }
0x33: {  	p0 =	seq.s32 s10, $0x1;
	s10 =	sld [smem:$0x3FBA];
	_ =	sdelay $0x3  }
0x34: {  	[smem:$0x3FBA] =	sst s10  }
0x35: {  	s10 =	sld [smem:$0x3FB9];
	_ =	sdelay $0x3  }
0x36: {  	p1 =	seq.s32 s10, $0x1;
	s10 =	sld [smem:$0x3FBA];
	_ =	sdelay $0x3  }
0x37: {  	[smem:$0x3FBA] =	sst s10  }
0x38: {  	s10 =	sld [smem:$0x3FBB]  }
0x39: {  	_ = 	snop;
	(pc) =	sbr.ind lr, $3  }
0x3a: {  	_ = 	snop  }
0x3b: {  	_ = 	snop  }
0x3c: {  	p2 =	seq.s32 s10, $0x1;
	s10 =	sld [smem:$0x3FBA]  }
0x3d: {  	_ =	shalt  }
0x3e: {  	_ =	shalt  }
0x3f: {  	_ =	shalt  }
0x40: {  	_ =	shalt  }
0x41: {  	_ =	shalt  }
0x42: {  	_ =	shalt  }
0x43: {  	_ =	shalt  }
0x44: {  	_ =	shalt  }
0x45: {  	_ =	shalt  }
0x46: {  	_ =	shalt  }
0x47: {  	_ =	shalt  }
0x48: {  	_ =	shalt  }
0x49: {  	_ =	shalt  }
0x4a: {  	_ =	shalt  }
0x4b: {  	_ =	shalt  }
0x4c: {  	_ =	shalt  }
0x4d: {  	_ =	shalt  }
0x4e: {  	_ =	shalt  }
0x4f: {  	_ =	shalt  }
0x50: {  	_ =	shalt  }
0x51: {  	_ =	shalt  }
0x52: {  	_ =	shalt  }
0x53: {  	_ =	shalt  }
0x54: {  	_ =	shalt  }
0x55: {  	_ =	shalt  }
0x56: {  	_ =	shalt  }
0x57: {  	_ =	shalt  }
0x58: {  	_ =	shalt  }
0x59: {  	_ =	shalt  }
0x5a: {  	_ =	shalt  }
0x5b: {  	_ =	shalt  }
0x5c: {  	_ =	shalt  }
0x5d: {  	_ =	shalt  }
0x5e: {  	_ =	shalt  }
0x5f: {  	_ =	shalt  }
0x60: {  	_ =	shalt  }
0x61: {  	_ =	shalt  }
0x62: {  	_ =	shalt  }
0x63: {  	_ =	shalt  }
0x64: {  	_ =	shalt  }
0x65: {  	_ =	shalt  }
0x66: {  	_ =	shalt  }
0x67: {  	_ =	shalt  }
0x68: {  	_ =	shalt  }
0x69: {  	_ =	shalt  }
0x6a: {  	_ =	shalt  }
0x6b: {  	_ =	shalt  }
0x6c: {  	_ =	shalt  }
0x6d: {  	_ =	shalt  }
0x6e: {  	_ =	shalt  }
0x6f: {  	_ =	shalt  }
0x70: {  	_ =	shalt  }
0x71: {  	_ =	shalt  }
0x72: {  	_ =	shalt  }
0x73: {  	_ =	shalt  }
0x74: {  	_ =	shalt  }
0x75: {  	_ =	shalt  }
0x76: {  	_ =	shalt  }
0x77: {  	_ =	shalt  }
0x78: {  	_ =	shalt  }
0x79: {  	_ =	shalt  }
0x7a: {  	_ =	shalt  }
0x7b: {  	_ =	shalt  }
0x7c: {  	_ =	shalt  }
0x7d: {  	_ =	shalt  }
0x7e: {  	_ =	shalt  }
0x7f: {  	_ =	shalt  }
0x80: {  	_ =	shalt  }
0x81: {  	_ =	shalt  }
0x82: {  	_ =	shalt  }
0x83: {  	_ =	shalt  }
0x84: {  	_ =	shalt  }
0x85: {  	_ =	shalt  }
0x86: {  	_ =	shalt  }
0x87: {  	_ =	shalt  }
.Lfunc_end0:
.L_simem_size_0:
called_computation_lowered:
.L_overlay_start_0:
0x88: {  	s2 =	sld [smem:$0x3FD9]  }
0x89: {  	s3 =	sld [smem:$0x3FFE];
	_ =	sdelay $0x1  }
0x8a: {  	s1 =	srdreg.scid  }
0x8b: {  	s0 =	sand.u32 $0x1, s1  }
0x8c: {  	s18 =	sshll.u32 s0, $0xA;
	s2 =	sadd.s32 s3, s2  }
0x8d: {  	s2 =	sadd.s32 s2, s18  }
0x8e: {  	[smem:$0x3FC6] =	sst s2  }
0x8f: {  	_ = 	snop  }
0x90: {  	s2 =	sld [smem:$0x3FC9]  }
0x91: {  	s19 =	sld [smem:$0x3FC8]  }
0x92: {  	s4 =	sld [smem:$0x3FD0];
	(tm) =	ssettm $0x1  }
0x93: {  	s5 =	sld [smem:$0x3FFB];
	_ =	sdelay $0x3  }
0x94: {  	_ =	strace s5  }
0x95: {  	s5 =	sld [smem:$0x3FFC];
	_ =	sdelay $0x3  }
0x96: {  	_ =	strace s5  }
0x97: {  	s5 =	sld [smem:$0x3FFD];
	_ =	sdelay $0x3  }
0x98: {  	_ =	strace s5  }
0x99: {  	_ =	strace $0x8FFFFFFF  }
0x9a: {  	s20 =	sld [smem:$0x3FDB];
	_ =	sdelay $0x1  }
0x9b: {  	s6 =	simm.s32 $_scs_section_size  }
0x9c: {  	s7 =	simm.s32 $_size__tile_overlayer_lowered;
	s8 =	simm.s32 $_tile_overlayer_lowered  }
0x9d: {  	s23 =	simm.s32 $0x1BFF;
	s22 =	sshll.u32 s8, $0x1;
	s5 =	sadd.s32 s6, s20  }
0x9e: {  	s9 =	simm.s32 $0x0;
	s21 =	sshll.u32 s7, $0x1;
	s7 =	sadd.s32 s22, s5  }
0x9f: {  	[timem:s9], [sflag:s23] =	dma.local [hbm:s7], s21  }
0xa0: {  	_ =	swait.ge [sflag:s23], s21  }
0xa1: {  	s6 =	ssub.s32 $0x0, s21;
	[sflag:s23] =	ssyncset.done $0x0  }
0xa2: {  	[sflag:s23] =	ssyncadd.s32 s6;
	_ =	sdelay $0x1  }
0xa3: {  	s24 =	simm.s32 $0x1B8B  }
0xa4: {  	_ =	swait.ge [sflag:s24], $0x1  }
0xa5: {  	[sflag:s24] =	ssyncset.done $0x0  }
0xa6: {  	s25 =	simm.s32 $0x1B8E;
	[sflag:s24] =	ssyncadd.s32 $0xFFFFFFFF  }
0xa7: {  	s26 =	simm.s32 $execute0_lowered;
	[smem:$0x3FD2] =	sst s25  }
0xa8: {  	s6 =	sshll.u32 s26, $0x1;
	_ =	strace $0x80000046;
	[dreg:$0x1] =	wrdreg $0xFFFFFFFF  }
0xa9: {  	s28 =	simm.s32 $_size_execute0_lowered;
	s5 =	sadd.s32 s5, s6;
	[dreg:$0x0] =	wrdreg $0x0  }
0xaa: {  	s6 =	sshll.u32 s28, $0x1;
	[dreg:$0x2] =	wrdreg s5  }
0xab: {  	[dreg:$0x3] =	wrdreg s6  }
0xac: {  	[dreg:$0x4] =	wrdreg $0xC0  }
0xad: {  	_ =	task [dreg:s9], $0x5FFFF  }
0xae: {  	[dreg:$0x1] =	wrdreg $0xFFFFFFFF  }
0xaf: {  	[dreg:$0x0] =	wrdreg $0x60  }
0xb0: {  	[dreg:$0x2] =	wrdreg s2  }
0xb1: {  	[dreg:$0x3] =	wrdreg s19  }
0xb2: {  	[dreg:$0x4] =	wrdreg s4  }
0xb3: {  	[dreg:$0x5] =	wrdreg $0x9  }
0xb4: {  	_ =	task.clear_ibuf [dreg:s9], $0x6FFFF;
	_ =	strace $0x90000046  }
0xb5: {  	s29 =	simm.s32 $0x9;
	_ =	strace $0x80000048  }
0xb6: {  	_ =	swait.ge [sflag:s29], $0x1  }
0xb7: {  	[sflag:s29] =	ssyncadd.s32 $0xFFFFFFFF  }
0xb8: {  	_ =	strace $0x90000048  }
0xb9: {  	_ =	sfence  }
0xba: {  	s30 =	sld [smem:$0x0];
	_ =	sdelay $0x2  }
0xbb: {  	s31 =	sshll.u32 s1, $0xD;
	s1 =	sshrl.u32 s1, $0x2  }
0xbc: {  	s3 =	sand.u32 $0x4000, s31;
	s1 =	sadd.s32 s1, s30  }
0xbd: {  	s0 =	sor.u32 s3, s0;
	s1 =	sshll.u32 s1, $0x11  }
0xbe: {  	s0 =	sor.u32 s1, s0  }
0xbf: {  	s0 =	sadd.s32 $0x8F2B, s0  }
0xc0: {  	[sflag:s0] =	ssyncadd.remote.s32 $0x1  }
0xc1: {  	_ =	sfence.sel $0xFFFF  }
0xc2: {  	[dreg:$0x0] =	wrdreg $0xFFFFFFFF;
	(pc) =	sbr.abs _section_cstart, $3  }
0xc3: {  	[dreg:$0x1] =	wrdreg $0xFFFFFFFF  }
0xc4: {  	_ =	task.clear_ibuf [dreg:s9], $0x2FFFF;
	_ =	strace $0x9FFFFFFF  }
0xc5: {  	(tm) =	ssettm $0x7FFFFFFF  }
tec
execute0_lowered:
.L_overlay_start_1:
0x0: {  	(tag) =	ssettag $0x1  }
0x1: {  	s5 =	rddreg [dreg:$0x0]  }
0x2: {  	s1 =	rddreg [dreg:$0x1]  }
0x3: {  	s6 =	rddreg [dreg:$0x2]  }
0x4: {  	s3 =	srdreg.scid;
	s0 =	rddreg [dreg:$0x3];
	s2 =	simm.s32 $0x0  }
0x5: {  	s9 =	simm.s32 $0x1200;
	s22 =	simm.s32 $0x2200;
	[smem:$0x7FF] =	sst s2  }
0x6: {  	s23 =	simm.s32 $0x3200;
	_ =	strace $0x80000047;
	[dreg:$0x4] =	wrdreg s9  }
0x7: {  	vm0 =	vmmov $0x1;
	vm2 =	vcmask $0x308;
	vm3 =	vcmask $0x70C;
	s24 =	simm.s32 $0x4200;
	s25 =	simm.s32 $0x5200;
	[dreg:$0x5] =	wrdreg s22  }
0x8: {  	vm4 =	vcmask $0xB10;
	vm5 =	vcmask $0xF14;
	vm6 =	vcmask $0x1318;
	s26 =	simm.s32 $0x6200;
	s28 =	simm.s32 $0x7200;
	[dreg:$0x6] =	wrdreg s23  }
0x9: {  	vm7 =	vcmask $0x171C;
	vm8 =	vcmask $0x1B20;
	vm9 =	vcmask $0x1F24;
	s29 =	simm.s32 $0x8200;
	s30 =	simm.s32 $0x9200;
	[dreg:$0x7] =	wrdreg s24  }
0xa: {  	v0 =	vlaneseq.u32;
	vm10 =	vcmask $0x2328;
	vm11 =	vcmask $0x272C;
	s11 =	simm.s32 $0xA200;
	s12 =	simm.s32 $0xB200;
	[dreg:$0x8] =	wrdreg s25  }
0xb: {  	vm1 =	vmmov $0x7fff;
	v1 =	vimm.s32 $0x0;
	s13 =	simm.s32 $0xC200;
	s14 =	simm.s32 $0xD200;
	v0 =	vmul.u32 $0x1000, v0;
	[dreg:$0x9] =	wrdreg s26  }
0xc: {  	vm12 =	vcmask $0x2B30;
	vm13 =	vcmask $0x2F34;
	s15 =	simm.s32 $0xE200;
	s31 =	simm.s32 $0xF200;
	v1 =	vsel vm1, $0xFFFFFFFF, v1;
	[dreg:$0xa] =	wrdreg s28  }
0xd: {  	vm14 =	vcmask $0x3338;
	vm15 =	vcmask $0x373C;
	s16 =	simm.s32 $0x1000;
	s17 =	simm.s32 $0x20000;
	[tilespmem:$0x1FFF0] =	vst v1;
	[dreg:$0xb] =	wrdreg s29;
	v1 =	vor.u32 $0x80, v0  }
0xe: {  	s18 =	simm.s32 $0x10200;
	s19 =	simm.s32 $0x0;
	[dreg:$0xc] =	wrdreg s30;
	v2 =	vor.u32 $0x100, v0;
	v3 =	vor.u32 $0x180, v0;
	v4 =	vor.u32 $0x200, v0  }
0xf: {  	s4 =	sand.u32 $0x1, s3;
	s3 =	stileid.u32;
	[dreg:$0xd] =	wrdreg s11;
	v5 =	vor.u32 $0x280, v0;
	v6 =	vor.u32 $0x300, v0;
	v7 =	vor.u32 $0x380, v0  }
0x10: {  	s7 =	ssub.s32 $0x2, s4;
	s21 =	sshll.u32 s3, $0xA;
	[dreg:$0xe] =	wrdreg s12;
	v8 =	vor.u32 $0x400, v0;
	v9 =	vor.u32 $0x480, v0;
	v10 =	vor.u32 $0x500, v0  }
0x11: {  	s4 =	sshll.u32 s4, $0x9;
	s9 =	simm.s32 $0x7A1400;
	[dreg:$0xf] =	wrdreg s13;
	v11 =	vor.u32 $0x580, v0;
	v12 =	vor.u32 $0x600, v0;
	v13 =	vor.u32 $0x680, v0  }
0x12: {  	s11 =	simm.s32 $0x3;
	s12 =	simm.s32 $0x2;
	[dreg:$0x10] =	wrdreg s14;
	v14 =	vor.u32 $0x700, v0;
	v15 =	vor.u32 $0x780, v0;
	v16 =	vor.u32 $0x800, v0  }
0x13: {  	s13 =	simm.s32 $0x400;
	s14 =	simm.s32 $0x200;
	[dreg:$0x11] =	wrdreg s15;
	v17 =	vor.u32 $0x880, v0;
	v18 =	vor.u32 $0x900, v0;
	v19 =	vor.u32 $0x980, v0  }
0x14: {  	[dreg:$0x12] =	wrdreg s31;
	s15 =	simm.s32 $0x1;
	s8 =	sshrl.u32 s7, $0x1;
	v20 =	vor.u32 $0xA00, v0;
	v21 =	vor.u32 $0xA80, v0;
	v22 =	vor.u32 $0xB00, v0  }
0x15: {  	v23 =	vor.u32 $0xB80, v0;
	v24 =	vor.u32 $0xC00, v0;
	v25 =	vor.u32 $0xC80, v0;
	s7 =	ssub.s32 s7, s8;
	s8 =	sor.u32 s4, s21;
	s4 =	sadd.s32 $0xF4100, s1  }
0x16: {  	v26 =	vor.u32 $0xD00, v0;
	v27 =	vor.u32 $0xD80, v0;
	v28 =	vor.u32 $0xE00, v0;
	s10 =	sshrl.u32 s8, $0x3;
	s6 =	sadd.s32 s6, s8;
	s7 =	smax.u32 s7, $0x1  }
0x17: {  	v29 =	vor.u32 $0xE80, v0;
	v30 =	vor.u32 $0xF00, v0;
	v31 =	vor.u32 $0xF80, v0;
	s8 =	simm.s32 $0xC00;
	s5 =	sadd.s32 s5, s10;
	s10 =	simm.s32 $0x14200  }
.LBB2_1:
0x18: {  	[tilespmem:s10], [sflag:$0x2] =	stream.strided.gather [hbm4b:s4+s8], $0x3000, s9, s8, $0x38;
	[tilespmem:$0x17200] =	vst v63  }
0x19: {  	_ = 	snop  }
0x1a: {  	[tilespmem:s2], [sflag:$0x3] =	stream.linear.gather [hbm4b:s5+s2], $0x200, $0x38;
	[tilespmem:$0x17200] =	vst v63  }
0x1b: {  	_ =	swait.ge [sflag:s11], $0x200  }
0x1c: {  	[sflag:s11] =	ssyncset.done $0x0  }
0x1d: {  	[sflag:s11] =	ssyncadd.s32 $0xFFFFFE00  }
0x1e: {  	_ =	swait.ge [sflag:s12], $0x3000  }
0x1f: {  	s20 =	simm.s32 $0x0;
	[sflag:s12] =	ssyncset.done $0x0  }
0x20: {  	s21 =	simm.s32 $0x0;
	s22 =	simm.s32 $0x0;
	[sflag:s12] =	ssyncadd.s32 $0xFFFFD000  }
.LBB2_2:
0x21: {  	v33 =	vld [tilespmem:s20+$0x0];
	_ =	sdelay $0x4  }
0x22: {  	vm1 =	vgt.s32 v33, $0xF40FF  }
0x23: {  	v32 =	vsel vm1, $0x0, v33  }
0x24: {  	v34 =	vnsel vm0, $0x0, v32  }
0x25: {  	v34 =	vxor.u32 $0x80000000, v34  }
0x26: {  	v56 =	vsel vm2, $0x0, v32;
	(xrf0) =	vmax.scan.msk.u32 $0xffff, v34  }
0x27: {  	v34 =	vxor.u32 $0x80000000, v56  }
0x28: {  	(xrf0) =	vmax.scan.msk.u32 $0xffff, v34;
	_ =	sdelay $0x2  }
0x29: {  	v35 =	vsel vm3, $0x0, v32  }
0x2a: {  	v58 =	vxor.u32 $0x80000000, v35;
	v57, _, _ =	vpop (xrf0)  }
0x2b: {  	v60 =	vsel vm4, $0x0, v32;
	(xrf0) =	vmax.scan.msk.u32 $0xffff, v58;
	(v2sf) =	vpush v57, $0xF  }
0x2c: {  	v61 =	vxor.u32 $0x80000000, v60;
	v59, _, _ =	vpop (xrf0)  }
0x2d: {  	(xrf0) =	vmax.scan.msk.u32 $0xffff, v61;
	(v2sf) =	vpush v59, $0xF;
	_ =	sdelay $0x3  }
0x2e: {  	v63 =	vsel vm5, $0x0, v32;
	v62, _, _ =	vpop (xrf0)  }
0x2f: {  	v36 =	vxor.u32 $0x80000000, v63;
	(v2sf) =	vpush v62, $0xF  }
0x30: {  	v38 =	vsel vm6, $0x0, v32;
	(xrf0) =	vmax.scan.msk.u32 $0xffff, v36;
	v37, _, _ =	vpop (xrf0)  }
0x31: {  	v39 =	vxor.u32 $0x80000000, v38;
	(v2sf) =	vpush v37, $0xF  }
0x32: {  	(xrf0) =	vmax.scan.msk.u32 $0xffff, v39;
	_ =	sdelay $0x2  }
0x33: {  	v41 =	vsel vm7, $0x0, v32  }
0x34: {  	v42 =	vxor.u32 $0x80000000, v41;
	v40, _, _ =	vpop (xrf0)  }
0x35: {  	v44 =	vsel vm8, $0x0, v32;
	(xrf0) =	vmax.scan.msk.u32 $0xffff, v42;
	s23 =	spop (v2sf);
	(v2sf) =	vpush v40, $0xF  }
0x36: {  	v45 =	vxor.u32 $0x80000000, v44;
	v43, _, _ =	vpop (xrf0)  }
0x37: {  	(xrf0) =	vmax.scan.msk.u32 $0xffff, v45;
	s31 =	spop (v2sf);
	(v2sf) =	vpush v43, $0xF;
	_ =	sdelay $0x2  }
0x38: {  	v47 =	vsel vm9, $0x0, v32  }
0x39: {  	v48 =	vxor.u32 $0x80000000, v47;
	s23 =	sand.u32 $0x1FFFFF80, s23;
	v46, _, _ =	vpop (xrf0)  }
0x3a: {  	s23 =	sadd.s32 s1, s23;
	(xrf0) =	vmax.scan.msk.u32 $0xffff, v48;
	s25 =	spop (v2sf);
	(v2sf) =	vpush v46, $0xF  }
0x3b: {  	v50 =	vsel vm10, $0x0, v32;
	[tilespmem:s14], [sflag:$0x1] =	stream.strided.gather [hbm4b:s23+s13], $0x1000, s9, s13, $0x38;
	v49, _, _ =	vpop (xrf0);
	[tilespmem:$0x17200] =	vst v63  }
0x3c: {  	v51 =	vxor.u32 $0x80000000, v50;
	s23 =	sand.u32 $0x1FFFFF80, s31;
	s28 =	spop (v2sf);
	(v2sf) =	vpush v49, $0xF  }
0x3d: {  	s24 =	rddreg [dreg:$0x4];
	(xrf0) =	vmax.scan.msk.u32 $0xffff, v51;
	s23 =	sadd.s32 s1, s23  }
0x3e: {  	[tilespmem:s24], [sflag:$0x1] =	stream.strided.gather [hbm4b:s23+s13], $0x1000, s9, s13, $0x38;
	[tilespmem:$0x17200] =	vst v63  }
0x3f: {  	s23 =	sand.u32 $0x1FFFFF80, s25  }
0x40: {  	s26 =	rddreg [dreg:$0x5];
	v53 =	vsel vm11, $0x0, v32;
	s23 =	sadd.s32 s1, s23  }
0x41: {  	v54 =	vxor.u32 $0x80000000, v53;
	v52, _, _ =	vpop (xrf0);
	[tilespmem:s26], [sflag:$0x1] =	stream.strided.gather [hbm4b:s23+s13], $0x1000, s9, s13, $0x38;
	[tilespmem:$0x17200] =	vst v63  }
0x42: {  	v56 =	vsel vm12, $0x0, v32;
	(xrf0) =	vmax.scan.msk.u32 $0xffff, v54;
	s30 =	spop (v2sf);
	(v2sf) =	vpush v52, $0xF  }
0x43: {  	v57 =	vxor.u32 $0x80000000, v56;
	s23 =	sand.u32 $0x1FFFFF80, s28;
	v55, _, _ =	vpop (xrf0)  }
0x44: {  	s29 =	rddreg [dreg:$0x6];
	(xrf0) =	vmax.scan.msk.u32 $0xffff, v57;
	s23 =	sadd.s32 s1, s23;
	s25 =	spop (v2sf);
	(v2sf) =	vpush v55, $0xF  }
0x45: {  	[tilespmem:s29], [sflag:$0x1] =	stream.strided.gather [hbm4b:s23+s13], $0x1000, s9, s13, $0x38;
	[tilespmem:$0x17200] =	vst v63  }
0x46: {  	s23 =	sand.u32 $0x1FFFFF80, s30  }
0x47: {  	s31 =	rddreg [dreg:$0x7];
	s23 =	sadd.s32 s1, s23  }
0x48: {  	v59 =	vsel vm13, $0x0, v32;
	v58, _, _ =	vpop (xrf0);
	[tilespmem:s31], [sflag:$0x1] =	stream.strided.gather [hbm4b:s23+s13], $0x1000, s9, s13, $0x38;
	[tilespmem:$0x17200] =	vst v63  }
0x49: {  	v60 =	vxor.u32 $0x80000000, v59;
	v62 =	vsel vm14, $0x0, v32;
	s28 =	spop (v2sf);
	(v2sf) =	vpush v58, $0xF  }
0x4a: {  	v63 =	vxor.u32 $0x80000000, v62;
	(xrf0) =	vmax.scan.msk.u32 $0xffff, v60;
	v61, _, _ =	vpop (xrf0);
	s23 =	sand.u32 $0x1FFFFF80, s25  }
0x4b: {  	v40 =	vld [tilespmem:$0x1FFF0];
	s26 =	rddreg [dreg:$0x8];
	(xrf0) =	vmax.scan.msk.u32 $0xffff, v63;
	s23 =	sadd.s32 s1, s23;
	s30 =	spop (v2sf);
	(v2sf) =	vpush v61, $0xF  }
0x4c: {  	[tilespmem:s26], [sflag:$0x1] =	stream.strided.gather [hbm4b:s23+s13], $0x1000, s9, s13, $0x38;
	[tilespmem:$0x17200] =	vst v63  }
0x4d: {  	s23 =	sand.u32 $0x1FFFFF80, s28  }
0x4e: {  	s29 =	rddreg [dreg:$0x9];
	s23 =	sadd.s32 s1, s23  }
0x4f: {  	v37 =	vsel vm15, $0x0, v32;
	[tilespmem:s29], [sflag:$0x1] =	stream.strided.gather [hbm4b:s23+s13], $0x1000, s9, s13, $0x38;
	[tilespmem:$0x17200] =	vst v63  }
0x50: {  	v38 =	vxor.u32 $0x80000000, v37;
	vm15 =	vnez.u8 v40;
	v36, _, _ =	vpop (xrf0);
	s23 =	sand.u32 $0x1FFFFF80, s30  }
0x51: {  	v35 =	vsel vm15, $0x0, v32;
	s31 =	rddreg [dreg:$0xa];
	(xrf0) =	vmax.scan.msk.u32 $0xffff, v38;
	s23 =	sadd.s32 s1, s23;
	s25 =	spop (v2sf);
	(v2sf) =	vpush v36, $0xF  }
0x52: {  	v41 =	vxor.u32 $0x80000000, v35;
	v39, _, _ =	vpop (xrf0);
	[tilespmem:s31], [sflag:$0x1] =	stream.strided.gather [hbm4b:s23+s13], $0x1000, s9, s13, $0x38;
	[tilespmem:$0x17200] =	vst v63  }
0x53: {  	(xrf0) =	vmax.scan.msk.u32 $0xffff, v41;
	s28 =	spop (v2sf);
	(v2sf) =	vpush v39, $0xF  }
0x54: {  	s23 =	sand.u32 $0x1FFFFF80, s25  }
0x55: {  	s26 =	rddreg [dreg:$0xb];
	s23 =	sadd.s32 s1, s23  }
0x56: {  	[tilespmem:s26], [sflag:$0x1] =	stream.strided.gather [hbm4b:s23+s13], $0x1000, s9, s13, $0x38;
	[tilespmem:$0x17200] =	vst v63  }
0x57: {  	v42, _, _ =	vpop (xrf0);
	s23 =	sand.u32 $0x1FFFFF80, s28  }
0x58: {  	s29 =	rddreg [dreg:$0xc];
	s23 =	sadd.s32 s1, s23;
	s30 =	spop (v2sf);
	(v2sf) =	vpush v42, $0xF  }
0x59: {  	v43, _, _ =	vpop (xrf0);
	[tilespmem:s29], [sflag:$0x1] =	stream.strided.gather [hbm4b:s23+s13], $0x1000, s9, s13, $0x38;
	[tilespmem:$0x17200] =	vst v63  }
0x5a: {  	s23 =	sand.u32 $0x1FFFFF80, s30;
	s25 =	spop (v2sf);
	(v2sf) =	vpush v43, $0xF  }
0x5b: {  	s31 =	rddreg [dreg:$0xd];
	s23 =	sadd.s32 s1, s23  }
0x5c: {  	[tilespmem:s31], [sflag:$0x1] =	stream.strided.gather [hbm4b:s23+s13], $0x1000, s9, s13, $0x38;
	[tilespmem:$0x17200] =	vst v63  }
0x5d: {  	s23 =	sand.u32 $0x1FFFFF80, s25  }
0x5e: {  	s26 =	rddreg [dreg:$0xe];
	s23 =	sadd.s32 s1, s23  }
0x5f: {  	[tilespmem:s26], [sflag:$0x1] =	stream.strided.gather [hbm4b:s23+s13], $0x1000, s9, s13, $0x38;
	[tilespmem:$0x17200] =	vst v63  }
0x60: {  	s28 =	spop (v2sf)  }
0x61: {  	s23 =	sand.u32 $0x1FFFFF80, s28  }
0x62: {  	s29 =	rddreg [dreg:$0xf];
	s30 =	spop (v2sf);
	s23 =	sadd.s32 s1, s23  }
0x63: {  	[tilespmem:s29], [sflag:$0x1] =	stream.strided.gather [hbm4b:s23+s13], $0x1000, s9, s13, $0x38;
	[tilespmem:$0x17200] =	vst v63  }
0x64: {  	s23 =	sand.u32 $0x1FFFFF80, s30  }
0x65: {  	s31 =	rddreg [dreg:$0x10];
	s23 =	sadd.s32 s1, s23  }
0x66: {  	[tilespmem:s31], [sflag:$0x1] =	stream.strided.gather [hbm4b:s23+s13], $0x1000, s9, s13, $0x38;
	[tilespmem:$0x17200] =	vst v63  }
0x67: {  	s24 =	spop (v2sf)  }
0x68: {  	s23 =	sand.u32 $0x1FFFFF80, s24  }
0x69: {  	s25 =	rddreg [dreg:$0x11];
	s26 =	spop (v2sf);
	s23 =	sadd.s32 s1, s23  }
0x6a: {  	[tilespmem:s25], [sflag:$0x1] =	stream.strided.gather [hbm4b:s23+s13], $0x1000, s9, s13, $0x38;
	[tilespmem:$0x17200] =	vst v63  }
0x6b: {  	s23 =	sand.u32 $0x1FFFFF80, s26  }
0x6c: {  	s28 =	rddreg [dreg:$0x12];
	s23 =	sadd.s32 s1, s23  }
0x6d: {  	[tilespmem:s28], [sflag:$0x1] =	stream.strided.gather [hbm4b:s23+s13], $0x1000, s9, s13, $0x38;
	[tilespmem:$0x17200] =	vst v63  }
0x6e: {  	_ =	swait.ge [sflag:s15], $0x1000  }
0x6f: {  	[sflag:s15] =	ssyncset.done $0x0  }
0x70: {  	[sflag:s15] =	ssyncadd.s32 $0xFFFFF000  }
0x71: {  	_ =	swait.ge [sflag:s15], $0x1000  }
0x72: {  	[sflag:s15] =	ssyncset.done $0x0  }
0x73: {  	[sflag:s15] =	ssyncadd.s32 $0xFFFFF000  }
0x74: {  	_ =	swait.ge [sflag:s15], $0x1000  }
0x75: {  	[sflag:s15] =	ssyncset.done $0x0  }
0x76: {  	[sflag:s15] =	ssyncadd.s32 $0xFFFFF000  }
0x77: {  	_ =	swait.ge [sflag:s15], $0x1000  }
0x78: {  	[sflag:s15] =	ssyncset.done $0x0  }
0x79: {  	[sflag:s15] =	ssyncadd.s32 $0xFFFFF000  }
0x7a: {  	_ =	swait.ge [sflag:s15], $0x1000  }
0x7b: {  	[sflag:s15] =	ssyncset.done $0x0  }
0x7c: {  	[sflag:s15] =	ssyncadd.s32 $0xFFFFF000  }
0x7d: {  	_ =	swait.ge [sflag:s15], $0x1000  }
0x7e: {  	[sflag:s15] =	ssyncset.done $0x0  }
0x7f: {  	[sflag:s15] =	ssyncadd.s32 $0xFFFFF000  }
0x80: {  	_ =	swait.ge [sflag:s15], $0x1000  }
0x81: {  	[sflag:s15] =	ssyncset.done $0x0  }
0x82: {  	[sflag:s15] =	ssyncadd.s32 $0xFFFFF000  }
0x83: {  	_ =	swait.ge [sflag:s15], $0x1000  }
0x84: {  	[sflag:s15] =	ssyncset.done $0x0  }
0x85: {  	[sflag:s15] =	ssyncadd.s32 $0xFFFFF000  }
0x86: {  	_ =	swait.ge [sflag:s15], $0x1000  }
0x87: {  	[sflag:s15] =	ssyncset.done $0x0  }
0x88: {  	[sflag:s15] =	ssyncadd.s32 $0xFFFFF000  }
0x89: {  	_ =	swait.ge [sflag:s15], $0x1000  }
0x8a: {  	[sflag:s15] =	ssyncset.done $0x0  }
0x8b: {  	[sflag:s15] =	ssyncadd.s32 $0xFFFFF000  }
0x8c: {  	_ =	swait.ge [sflag:s15], $0x1000  }
0x8d: {  	[sflag:s15] =	ssyncset.done $0x0  }
0x8e: {  	[sflag:s15] =	ssyncadd.s32 $0xFFFFF000  }
0x8f: {  	_ =	swait.ge [sflag:s15], $0x1000  }
0x90: {  	[sflag:s15] =	ssyncset.done $0x0  }
0x91: {  	v33 =	vadd.s32 $0xFFF0BF00, v33;
	[sflag:s15] =	ssyncadd.s32 $0xFFFFF000  }
0x92: {  	vm15 =	vmmov vm0;
	vm0 =	vmmov vm14;
	vm14 =	vmmov vm13;
	_ =	swait.ge [sflag:s15], $0x1000  }
0x93: {  	vm13 =	vmmov vm12;
	vm12 =	vmmov vm11;
	vm11 =	vmmov vm10;
	[sflag:s15] =	ssyncset.done $0x0  }
0x94: {  	vm10 =	vmmov vm9;
	vm9 =	vmmov vm8;
	vm8 =	vmmov vm7;
	[sflag:s15] =	ssyncadd.s32 $0xFFFFF000  }
0x95: {  	vm7 =	vmmov vm6;
	vm6 =	vmmov vm5;
	vm5 =	vmmov vm4;
	_ =	swait.ge [sflag:s15], $0x1000  }
0x96: {  	vm4 =	vmmov vm3;
	vm3 =	vmmov vm2;
	vm2 =	vgt.s32 v33, $0x0;
	[sflag:s15] =	ssyncset.done $0x0  }
0x97: {  	v33 =	vnsel vm2, $0x0, v33;
	[sflag:s15] =	ssyncadd.s32 $0xFFFFF000  }
0x98: {  	v32 =	vand.u32 $0x7F, v32;
	v44 =	vshll.u32 v33, $0x3;
	_ =	swait.ge [sflag:s15], $0x1000  }
0x99: {  	v45 =	vor.u32 v0, v32;
	v33 =	vand.u32 $0x7F, v33;
	v34 =	vand.u32 $0xFFFFFC00, v44;
	[sflag:s15] =	ssyncset.done $0x0  }
0x9a: {  	v33 =	vor.u32 v33, v34;
	[sflag:s15] =	ssyncadd.s32 $0xFFFFF000  }
0x9b: {  	_ =	swait.ge [sflag:s15], $0x1000  }
0x9c: {  	[sflag:s15] =	ssyncset.done $0x0  }
0x9d: {  	[sflag:s15] =	ssyncadd.s32 $0xFFFFF000  }
0x9e: {  	v46 =	vld.idx.msk [tilespmem:v45+s14+$0x0], $0xffff  }
0x9f: {  	v47 =	vld.idx.msk [tilespmem:v33+s10+$0x0], vm1;
	_ =	sdelay $0x1  }
0xa0: {  	v36 =	vor.u32 v1, v32  }
0xa1: {  	v37 =	vor.u32 $0x80, v33  }
0xa2: {  	s29 =	sand.u32 $0x70, s22;
	s30 =	sand.u32 $0xC00, s21  }
0xa3: {  	s23 =	sor.u32 s29, s30;
	v34 =	vsel vm1, v47, v46  }
0xa4: {  	[tilespmem:s23+$0x10200] =	vst v34  }
0xa5: {  	v34 =	vld.idx.msk [tilespmem:v36+s14+$0x0], $0xffff  }
0xa6: {  	v48 =	vld.idx.msk [tilespmem:v37+s10+$0x0], vm1;
	_ =	sdelay $0x1  }
0xa7: {  	v49 =	vor.u32 v2, v32  }
0xa8: {  	v50 =	vor.u32 $0x100, v33;
	_ =	sdelay $0x1  }
0xa9: {  	v34 =	vsel vm1, v48, v34  }
0xaa: {  	[tilespmem:s23+$0x10280] =	vst v34  }
0xab: {  	v34 =	vld.idx.msk [tilespmem:v49+s14+$0x0], $0xffff  }
0xac: {  	v51 =	vld.idx.msk [tilespmem:v50+s10+$0x0], vm1;
	_ =	sdelay $0x1  }
0xad: {  	v52 =	vor.u32 v3, v32  }
0xae: {  	v53 =	vor.u32 $0x180, v33;
	_ =	sdelay $0x1  }
0xaf: {  	v34 =	vsel vm1, v51, v34  }
0xb0: {  	[tilespmem:s23+$0x10300] =	vst v34  }
0xb1: {  	v34 =	vld.idx.msk [tilespmem:v52+s14+$0x0], $0xffff  }
0xb2: {  	v54 =	vld.idx.msk [tilespmem:v53+s10+$0x0], vm1;
	_ =	sdelay $0x1  }
0xb3: {  	v55 =	vor.u32 v4, v32  }
0xb4: {  	v56 =	vor.u32 $0x200, v33;
	_ =	sdelay $0x1  }
0xb5: {  	v34 =	vsel vm1, v54, v34  }
0xb6: {  	[tilespmem:s23+$0x10380] =	vst v34  }
0xb7: {  	v34 =	vld.idx.msk [tilespmem:v55+s14+$0x0], $0xffff  }
0xb8: {  	v57 =	vld.idx.msk [tilespmem:v56+s10+$0x0], vm1;
	_ =	sdelay $0x1  }
0xb9: {  	v58 =	vor.u32 v5, v32  }
0xba: {  	v59 =	vor.u32 $0x280, v33;
	_ =	sdelay $0x1  }
0xbb: {  	v34 =	vsel vm1, v57, v34  }
0xbc: {  	[tilespmem:s23+$0x10400] =	vst v34  }
0xbd: {  	v34 =	vld.idx.msk [tilespmem:v58+s14+$0x0], $0xffff  }
0xbe: {  	v60 =	vld.idx.msk [tilespmem:v59+s10+$0x0], vm1;
	_ =	sdelay $0x1  }
0xbf: {  	v61 =	vor.u32 v6, v32  }
0xc0: {  	v62 =	vor.u32 $0x300, v33;
	_ =	sdelay $0x1  }
0xc1: {  	v34 =	vsel vm1, v60, v34  }
0xc2: {  	[tilespmem:s23+$0x10480] =	vst v34  }
0xc3: {  	v34 =	vld.idx.msk [tilespmem:v61+s14+$0x0], $0xffff  }
0xc4: {  	v63 =	vld.idx.msk [tilespmem:v62+s10+$0x0], vm1;
	_ =	sdelay $0x1  }
0xc5: {  	v40 =	vor.u32 v7, v32  }
0xc6: {  	v41 =	vor.u32 $0x380, v33;
	_ =	sdelay $0x1  }
0xc7: {  	v34 =	vsel vm1, v63, v34  }
0xc8: {  	[tilespmem:s23+$0x10500] =	vst v34  }
0xc9: {  	v34 =	vld.idx.msk [tilespmem:v40+s14+$0x0], $0xffff  }
0xca: {  	v42 =	vld.idx.msk [tilespmem:v41+s10+$0x0], vm1;
	_ =	sdelay $0x1  }
0xcb: {  	v43 =	vor.u32 v8, v32  }
0xcc: {  	v44 =	vadd.s32 $0xC00, v33  }
0xcd: {  	s31 =	sor.u32 s21, s22  }
0xce: {  	s24 =	sor.u32 $0x380, s31;
	v34 =	vsel vm1, v42, v34  }
0xcf: {  	[tilespmem:s24+$0x10200] =	vst v34  }
0xd0: {  	v34 =	vld.idx.msk [tilespmem:v43+s14+$0x0], $0xffff  }
0xd1: {  	v45 =	vld.idx.msk [tilespmem:v44+s10+$0x0], vm1;
	_ =	sdelay $0x1  }
0xd2: {  	v46 =	vor.u32 v9, v32  }
0xd3: {  	v47 =	vadd.s32 $0xC80, v33;
	_ =	sdelay $0x1  }
0xd4: {  	v34 =	vsel vm1, v45, v34  }
0xd5: {  	[tilespmem:s23+$0x11200] =	vst v34  }
0xd6: {  	v34 =	vld.idx.msk [tilespmem:v46+s14+$0x0], $0xffff  }
0xd7: {  	v48 =	vld.idx.msk [tilespmem:v47+s10+$0x0], vm1;
	_ =	sdelay $0x1  }
0xd8: {  	v49 =	vor.u32 v10, v32  }
0xd9: {  	v50 =	vadd.s32 $0xD00, v33;
	_ =	sdelay $0x1  }
0xda: {  	v34 =	vsel vm1, v48, v34  }
0xdb: {  	[tilespmem:s23+$0x11280] =	vst v34  }
0xdc: {  	v34 =	vld.idx.msk [tilespmem:v49+s14+$0x0], $0xffff  }
0xdd: {  	v51 =	vld.idx.msk [tilespmem:v50+s10+$0x0], vm1;
	_ =	sdelay $0x1  }
0xde: {  	v52 =	vor.u32 v11, v32  }
0xdf: {  	v53 =	vadd.s32 $0xD80, v33;
	_ =	sdelay $0x1  }
0xe0: {  	v34 =	vsel vm1, v51, v34  }
0xe1: {  	[tilespmem:s23+$0x11300] =	vst v34  }
0xe2: {  	v34 =	vld.idx.msk [tilespmem:v52+s14+$0x0], $0xffff  }
0xe3: {  	v54 =	vld.idx.msk [tilespmem:v53+s10+$0x0], vm1;
	_ =	sdelay $0x1  }
0xe4: {  	v55 =	vor.u32 v12, v32  }
0xe5: {  	v56 =	vadd.s32 $0xE00, v33;
	_ =	sdelay $0x1  }
0xe6: {  	v34 =	vsel vm1, v54, v34  }
0xe7: {  	[tilespmem:s23+$0x11380] =	vst v34  }
0xe8: {  	v34 =	vld.idx.msk [tilespmem:v55+s14+$0x0], $0xffff  }
0xe9: {  	v57 =	vld.idx.msk [tilespmem:v56+s10+$0x0], vm1;
	_ =	sdelay $0x1  }
0xea: {  	v58 =	vor.u32 v13, v32  }
0xeb: {  	v59 =	vadd.s32 $0xE80, v33;
	_ =	sdelay $0x1  }
0xec: {  	v34 =	vsel vm1, v57, v34  }
0xed: {  	[tilespmem:s23+$0x11400] =	vst v34  }
0xee: {  	v34 =	vld.idx.msk [tilespmem:v58+s14+$0x0], $0xffff  }
0xef: {  	v60 =	vld.idx.msk [tilespmem:v59+s10+$0x0], vm1;
	_ =	sdelay $0x1  }
0xf0: {  	v61 =	vor.u32 v14, v32  }
0xf1: {  	v62 =	vadd.s32 $0xF00, v33;
	_ =	sdelay $0x1  }
0xf2: {  	v34 =	vsel vm1, v60, v34  }
0xf3: {  	[tilespmem:s23+$0x11480] =	vst v34  }
0xf4: {  	v34 =	vld.idx.msk [tilespmem:v61+s14+$0x0], $0xffff  }
0xf5: {  	v63 =	vld.idx.msk [tilespmem:v62+s10+$0x0], vm1;
	_ =	sdelay $0x1  }
0xf6: {  	v40 =	vor.u32 v15, v32  }
0xf7: {  	v41 =	vadd.s32 $0xF80, v33;
	_ =	sdelay $0x1  }
0xf8: {  	v34 =	vsel vm1, v63, v34  }
0xf9: {  	[tilespmem:s23+$0x11500] =	vst v34  }
0xfa: {  	v34 =	vld.idx.msk [tilespmem:v40+s14+$0x0], $0xffff  }
0xfb: {  	v42 =	vld.idx.msk [tilespmem:v41+s10+$0x0], vm1;
	_ =	sdelay $0x1  }
0xfc: {  	v43 =	vor.u32 v16, v32  }
0xfd: {  	v44 =	vadd.s32 $0x1800, v33;
	_ =	sdelay $0x1  }
0xfe: {  	v34 =	vsel vm1, v42, v34  }
0xff: {  	[tilespmem:s23+$0x11580] =	vst v34  }
0x100: {  	v34 =	vld.idx.msk [tilespmem:v43+s14+$0x0], $0xffff  }
0x101: {  	v45 =	vld.idx.msk [tilespmem:v44+s10+$0x0], vm1;
	_ =	sdelay $0x1  }
0x102: {  	v46 =	vor.u32 v17, v32  }
0x103: {  	v47 =	vadd.s32 $0x1880, v33;
	_ =	sdelay $0x1  }
0x104: {  	v34 =	vsel vm1, v45, v34  }
0x105: {  	[tilespmem:s23+$0x12200] =	vst v34  }
0x106: {  	v34 =	vld.idx.msk [tilespmem:v46+s14+$0x0], $0xffff  }
0x107: {  	v48 =	vld.idx.msk [tilespmem:v47+s10+$0x0], vm1;
	_ =	sdelay $0x1  }
0x108: {  	v49 =	vor.u32 v18, v32  }
0x109: {  	v50 =	vadd.s32 $0x1900, v33;
	_ =	sdelay $0x1  }
0x10a: {  	v34 =	vsel vm1, v48, v34  }
0x10b: {  	[tilespmem:s23+$0x12280] =	vst v34  }
0x10c: {  	v34 =	vld.idx.msk [tilespmem:v49+s14+$0x0], $0xffff  }
0x10d: {  	v51 =	vld.idx.msk [tilespmem:v50+s10+$0x0], vm1;
	_ =	sdelay $0x1  }
0x10e: {  	v52 =	vor.u32 v19, v32  }
0x10f: {  	v53 =	vadd.s32 $0x1980, v33;
	_ =	sdelay $0x1  }
0x110: {  	v34 =	vsel vm1, v51, v34  }
0x111: {  	[tilespmem:s23+$0x12300] =	vst v34  }
0x112: {  	v34 =	vld.idx.msk [tilespmem:v52+s14+$0x0], $0xffff  }
0x113: {  	v54 =	vld.idx.msk [tilespmem:v53+s10+$0x0], vm1;
	_ =	sdelay $0x1  }
0x114: {  	v55 =	vor.u32 v20, v32  }
0x115: {  	v56 =	vadd.s32 $0x1A00, v33;
	_ =	sdelay $0x1  }
0x116: {  	v34 =	vsel vm1, v54, v34  }
0x117: {  	[tilespmem:s23+$0x12380] =	vst v34  }
0x118: {  	v34 =	vld.idx.msk [tilespmem:v55+s14+$0x0], $0xffff  }
0x119: {  	v57 =	vld.idx.msk [tilespmem:v56+s10+$0x0], vm1;
	_ =	sdelay $0x1  }
0x11a: {  	v58 =	vor.u32 v21, v32  }
0x11b: {  	v59 =	vadd.s32 $0x1A80, v33;
	_ =	sdelay $0x1  }
0x11c: {  	v34 =	vsel vm1, v57, v34  }
0x11d: {  	[tilespmem:s23+$0x12400] =	vst v34  }
0x11e: {  	v34 =	vld.idx.msk [tilespmem:v58+s14+$0x0], $0xffff  }
0x11f: {  	v60 =	vld.idx.msk [tilespmem:v59+s10+$0x0], vm1;
	_ =	sdelay $0x1  }
0x120: {  	v61 =	vor.u32 v22, v32  }
0x121: {  	v62 =	vadd.s32 $0x1B00, v33;
	_ =	sdelay $0x1  }
0x122: {  	v34 =	vsel vm1, v60, v34  }
0x123: {  	[tilespmem:s23+$0x12480] =	vst v34  }
0x124: {  	v34 =	vld.idx.msk [tilespmem:v61+s14+$0x0], $0xffff  }
0x125: {  	v63 =	vld.idx.msk [tilespmem:v62+s10+$0x0], vm1;
	_ =	sdelay $0x1  }
0x126: {  	v40 =	vor.u32 v23, v32  }
0x127: {  	v41 =	vadd.s32 $0x1B80, v33;
	_ =	sdelay $0x1  }
0x128: {  	v34 =	vsel vm1, v63, v34  }
0x129: {  	[tilespmem:s23+$0x12500] =	vst v34  }
0x12a: {  	v34 =	vld.idx.msk [tilespmem:v40+s14+$0x0], $0xffff  }
0x12b: {  	v42 =	vld.idx.msk [tilespmem:v41+s10+$0x0], vm1;
	_ =	sdelay $0x1  }
0x12c: {  	v43 =	vor.u32 v24, v32  }
0x12d: {  	v44 =	vadd.s32 $0x2400, v33;
	_ =	sdelay $0x1  }
0x12e: {  	v34 =	vsel vm1, v42, v34  }
0x12f: {  	[tilespmem:s23+$0x12580] =	vst v34  }
0x130: {  	v34 =	vld.idx.msk [tilespmem:v43+s14+$0x0], $0xffff  }
0x131: {  	v45 =	vld.idx.msk [tilespmem:v44+s10+$0x0], vm1;
	_ =	sdelay $0x1  }
0x132: {  	v46 =	vor.u32 v25, v32  }
0x133: {  	v47 =	vadd.s32 $0x2480, v33;
	_ =	sdelay $0x1  }
0x134: {  	v34 =	vsel vm1, v45, v34  }
0x135: {  	[tilespmem:s23+$0x13200] =	vst v34  }
0x136: {  	v34 =	vld.idx.msk [tilespmem:v46+s14+$0x0], $0xffff  }
0x137: {  	v48 =	vld.idx.msk [tilespmem:v47+s10+$0x0], vm1;
	_ =	sdelay $0x1  }
0x138: {  	v49 =	vor.u32 v26, v32  }
0x139: {  	v50 =	vadd.s32 $0x2500, v33;
	_ =	sdelay $0x1  }
0x13a: {  	v34 =	vsel vm1, v48, v34  }
0x13b: {  	[tilespmem:s23+$0x13280] =	vst v34  }
0x13c: {  	v34 =	vld.idx.msk [tilespmem:v49+s14+$0x0], $0xffff  }
0x13d: {  	v51 =	vld.idx.msk [tilespmem:v50+s10+$0x0], vm1;
	_ =	sdelay $0x1  }
0x13e: {  	v52 =	vor.u32 v27, v32  }
0x13f: {  	v53 =	vadd.s32 $0x2580, v33;
	_ =	sdelay $0x1  }
0x140: {  	v34 =	vsel vm1, v51, v34  }
0x141: {  	[tilespmem:s23+$0x13300] =	vst v34  }
0x142: {  	v34 =	vld.idx.msk [tilespmem:v52+s14+$0x0], $0xffff  }
0x143: {  	v54 =	vld.idx.msk [tilespmem:v53+s10+$0x0], vm1;
	_ =	sdelay $0x1  }
0x144: {  	v55 =	vor.u32 v28, v32  }
0x145: {  	v56 =	vadd.s32 $0x2600, v33;
	_ =	sdelay $0x1  }
0x146: {  	v34 =	vsel vm1, v54, v34  }
0x147: {  	[tilespmem:s23+$0x13380] =	vst v34  }
0x148: {  	v34 =	vld.idx.msk [tilespmem:v55+s14+$0x0], $0xffff  }
0x149: {  	v57 =	vld.idx.msk [tilespmem:v56+s10+$0x0], vm1;
	_ =	sdelay $0x1  }
0x14a: {  	v58 =	vor.u32 v29, v32  }
0x14b: {  	v59 =	vadd.s32 $0x2680, v33;
	_ =	sdelay $0x1  }
0x14c: {  	v34 =	vsel vm1, v57, v34  }
0x14d: {  	[tilespmem:s23+$0x13400] =	vst v34  }
0x14e: {  	v34 =	vld.idx.msk [tilespmem:v58+s14+$0x0], $0xffff  }
0x14f: {  	v60 =	vld.idx.msk [tilespmem:v59+s10+$0x0], vm1;
	_ =	sdelay $0x1  }
0x150: {  	v61 =	vor.u32 v30, v32  }
0x151: {  	v62 =	vadd.s32 $0x2700, v33;
	_ =	sdelay $0x1  }
0x152: {  	v34 =	vsel vm1, v60, v34  }
0x153: {  	[tilespmem:s23+$0x13480] =	vst v34  }
0x154: {  	v34 =	vld.idx.msk [tilespmem:v61+s14+$0x0], $0xffff  }
0x155: {  	v63 =	vld.idx.msk [tilespmem:v62+s10+$0x0], vm1;
	_ =	sdelay $0x1  }
0x156: {  	v32 =	vor.u32 v31, v32  }
0x157: {  	v33 =	vadd.s32 $0x2780, v33;
	_ =	sdelay $0x1  }
0x158: {  	v34 =	vsel vm1, v63, v34  }
0x159: {  	[tilespmem:s23+$0x13500] =	vst v34  }
0x15a: {  	v32 =	vld.idx.msk [tilespmem:v32+s14+$0x0], $0xffff  }
0x15b: {  	v33 =	vld.idx.msk [tilespmem:v33+s10+$0x0], vm1  }
0x15c: {  	p0 =	sne.s32 s22, $0x1F0;
	vm2 =	vmmov vm3  }
.Ltmp0:
0x15d: {  	vm3 =	vmmov vm4;
	vm4 =	vmmov vm5;
	vm5 =	vmmov vm6;
	(pc) =	sbr.rel @p0 .LBB2_2-.Ltmp0, $4  }
0x15e: {  	vm6 =	vmmov vm7;
	vm7 =	vmmov vm8;
	vm8 =	vmmov vm9  }
0x15f: {  	vm9 =	vmmov vm10;
	vm10 =	vmmov vm11;
	vm11 =	vmmov vm12  }
0x160: {  	vm12 =	vmmov vm13;
	vm13 =	vmmov vm14;
	v32 =	vsel vm1, v33, v32  }
0x161: {  	s20 =	sadd.s32 $0x10, s20;
	vm14 =	vmmov vm0;
	vm0 =	vmmov vm15;
	vm15 =	vcmask $0x373C;
	s21 =	sadd.s32 $0x80, s21;
	s22 =	sadd.s32 $0x10, s22;
	[tilespmem:s23+$0x13580] =	vst v32  }
0x162: {  	s19 =	sadd.s32 $0x1, s19  }
0x163: {  	p0 =	sne.s32 s19, s7  }
.Ltmp1:
0x164: {  	_ = 	snop;
	(pc) =	sbr.rel @p0 .LBB2_1-.Ltmp1, $4  }
0x165: {  	[hbm4b:s6+s16] =	stream.strided.scatter [tilespmem:s18], [sflag:$0x3], $0x4000, s17, s16, $0x38;
	[tilespmem:$0x17200] =	vst v63  }
0x166: {  	_ =	swait.ge [sflag:s11], $0x4000  }
0x167: {  	[sflag:s11] =	ssyncset.done $0x0  }
0x168: {  	[sflag:s11] =	ssyncadd.s32 $0xFFFFC000  }
0x169: {  	_ =	sfence.sel $0x180000  }
0x16a: {  	[bflag:$0x0] =	sbarrier.arrive $0xFFFF  }
0x16b: {  	p0 =	sne.s32 s3, $0x0;
	_ =	strace $0x90000047  }
0x16c: {  	s0 =	sadd.s32 @!p0 $0x100000, s0;
	[bflag:$0x2] =	sbarrier.arrive $0xFFFF  }
0x16d: {  	[sflag:s0] =	ssyncadd.tile.s32 @!p0 $0x1;
	_ =	shalt  }
.Lfunc_end2:
_tile_overlayer_lowered:
.L_overlay_start_2:
0x16e: {  	(tag) =	ssettag $0x2  }
0x16f: {  	s0 =	rddreg [dreg:$0x0];
	s2 =	stileid.u32  }
0x170: {  	s1 =	rddreg [dreg:$0x1];
	p0 =	sne.s32 s2, $0x0  }
0x171: {  	s3 =	rddreg [dreg:$0x2];
	[bflag:$0x3] =	sbarrier.arrive $0xFFFF;
	s2 =	simm.s32 @!p0 $0x1C03  }
0x172: {  	[timem:s3], [sflag:s2] =	dma.local @!p0 [hbm:s0], s1  }
0x173: {  	s0 =	simm.s32 @!p0 $0x3  }
0x174: {  	_ =	swait.ge @!p0 [sflag:s0], s1  }
0x175: {  	s1 =	ssub.s32 @!p0 $0x0, s1;
	[sflag:s0] =	ssyncset.done @!p0 $0x0  }
0x176: {  	[sflag:s0] =	ssyncadd.s32 @!p0 s1  }
0x177: {  	[bflag:$0x3] =	sbarrier.arrive $0xFFFF  }
0x178: {  	_ =	shalt  }

</sc_bundles>
